<compile_context>
chip_gen: v7x
topology: tpu7x:2x2x1
jax: 0.10.2.dev20260603
libtpu: 0.0.44.dev20260713+nightly
codegen_flags: <defaults>
</compile_context>

<pallas_src>
import jax
import jax.numpy as jnp
from jax import lax
from jax.experimental import pallas as pl
from jax.experimental.pallas import tpu as pltpu
from jax.experimental.pallas import tpu_sc as plsc

_N = 10000
_E = 320000
_IN = 128
_H = 128
_L = 64
_B = 16

_NC = 2
_NS = 16
_NW = _NC * _NS
_K = 128
_E2 = _E + _N
_STEPS = 81
_PW = _STEPS * _K
_EP = _PW * _NW
_NP = 10240
_RT = _NP // _NS

_mesh = plsc.VectorSubcoreMesh(
    core_axis_name="c", subcore_axis_name="s", num_cores=_NC, num_subcores=_NS)


def _deg_body(dst3, zeros1, out, acc, dstv, onesv):
    cid = lax.axis_index("c")
    sid = lax.axis_index("s")
    wid = cid * _NS + sid
    row0 = sid * _RT
    pltpu.sync_copy(zeros1.at[pl.ds(row0, _RT)], acc.at[pl.ds(row0, _RT)])
    pltpu.sync_copy(dst3.at[wid], dstv)
    for j in range(_K // 16):
        onesv[pl.ds(j * 16, 16)] = jnp.ones((16,), jnp.float32)
    plsc.subcore_barrier()

    def step(s, carry):
        pltpu.sync_copy(onesv, acc.at[dstv.at[s]], add=True)
        return carry

    lax.fori_loop(0, _STEPS, step, 0)
    plsc.subcore_barrier()
    pltpu.sync_copy(acc.at[pl.ds(row0, _RT)], out.at[cid, pl.ds(row0, _RT)])


_deg_call = pl.kernel(
    _deg_body,
    out_type=jax.ShapeDtypeStruct((_NC, _NP), jnp.float32),
    mesh=_mesh,
    scratch_types=[
        pltpu.VMEM_SHARED((_NP,), jnp.float32),
        pltpu.VMEM((_STEPS, _K), jnp.int32),
        pltpu.VMEM((_K,), jnp.float32),
    ],
)


def _make_agg(d, dbl=False):
    def prologue(src3, dst3, zrows, acc, srcv, dstv):
        cid = lax.axis_index("c")
        sid = lax.axis_index("s")
        wid = cid * _NS + sid
        row0 = sid * _RT
        pltpu.sync_copy(zrows.at[pl.ds(row0, _RT), :],
                        acc.at[pl.ds(row0, _RT), :])
        pltpu.sync_copy(src3.at[wid], srcv)
        pltpu.sync_copy(dst3.at[wid], dstv)
        plsc.subcore_barrier()
        return cid, row0

    def epilogue(out, acc, cid, row0):
        plsc.subcore_barrier()
        pltpu.sync_copy(acc.at[pl.ds(row0, _RT), :],
                        out.at[cid, pl.ds(row0, _RT), :])

    def body(table, src3, dst3, zrows, out, acc, srcv, dstv, rows, sem):
        cid, row0 = prologue(src3, dst3, zrows, acc, srcv, dstv)

        def step(s, carry):
            pltpu.async_copy(table.at[srcv.at[s]], rows, sem).wait()
            pltpu.sync_copy(rows, acc.at[dstv.at[s]], add=True)
            return carry

        lax.fori_loop(0, _STEPS, step, 0)
        epilogue(out, acc, cid, row0)

    def body_dbl(table, src3, dst3, zrows, out, acc, srcv, dstv, rows0,
                 rows1, sem0, sem1):
        cid, row0 = prologue(src3, dst3, zrows, acc, srcv, dstv)
        pltpu.async_copy(table.at[srcv.at[0]], rows0, sem0)

        def step2(t, carry):
            s0 = 2 * t
            pltpu.make_async_copy(table.at[srcv.at[s0]], rows0, sem0).wait()
            pltpu.async_copy(table.at[srcv.at[s0 + 1]], rows1, sem1)
            pltpu.sync_copy(rows0, acc.at[dstv.at[s0]], add=True)
            pltpu.make_async_copy(table.at[srcv.at[s0 + 1]], rows1,
                                  sem1).wait()
            pltpu.async_copy(table.at[srcv.at[s0 + 2]], rows0, sem0)
            pltpu.sync_copy(rows1, acc.at[dstv.at[s0 + 1]], add=True)
            return carry

        lax.fori_loop(0, _STEPS // 2, step2, 0)
        s_last = _STEPS - 1
        pltpu.make_async_copy(table.at[srcv.at[s_last]], rows0, sem0).wait()
        pltpu.sync_copy(rows0, acc.at[dstv.at[s_last]], add=True)
        epilogue(out, acc, cid, row0)

    nbuf = 2 if dbl else 1
    return pl.kernel(
        body_dbl if dbl else body,
        out_type=jax.ShapeDtypeStruct((_NC, _NP, d), jnp.float32),
        mesh=_mesh,
        compiler_params=pltpu.CompilerParams(use_tc_tiling_on_sc=False),
        scratch_types=[
            pltpu.VMEM_SHARED((_NP, d), jnp.float32),
            pltpu.VMEM((_STEPS, _K), jnp.int32),
            pltpu.VMEM((_STEPS, _K), jnp.int32),
        ] + [pltpu.VMEM((_K, d), jnp.float32)] * nbuf
          + [pltpu.SemaphoreType.DMA] * nbuf,
    )


def _make_agg_h16():
    d = _H

    def cvt(srcv16, s, buf):
        base = lax.broadcasted_iota(jnp.int32, (16,), 0) * 2
        for j in range(_K // 32):
            w = plsc.bitcast(srcv16[s, pl.ds(j * 32, 32)], jnp.int32)
            lo = jnp.bitwise_and(w, 0xFFFF)
            hi = jnp.bitwise_and(lax.shift_right_logical(w, 16), 0xFFFF)
            plsc.store_scatter(buf, [base + j * 32], lo)
            plsc.store_scatter(buf, [base + j * 32 + 1], hi)

    def body(table, src16, dst3, zrows, out, acc, srcv16, dstv, rows0,
             rows1, s32a, s32b, sem0, sem1):
        cid = lax.axis_index("c")
        sid = lax.axis_index("s")
        wid = cid * _NS + sid
        row0 = sid * _RT
        pltpu.sync_copy(zrows.at[pl.ds(row0, _RT), :],
                        acc.at[pl.ds(row0, _RT), :])
        pltpu.sync_copy(src16.at[wid], srcv16)
        pltpu.sync_copy(dst3.at[wid], dstv)
        plsc.subcore_barrier()

        cvt(srcv16, 0, s32a)
        pltpu.async_copy(table.at[s32a], rows0, sem0)
        cvt(srcv16, 1, s32b)

        def step2(t, carry):
            s0 = 2 * t
            pltpu.make_async_copy(table.at[s32a], rows0, sem0).wait()
            pltpu.async_copy(table.at[s32b], rows1, sem1)
            pltpu.sync_copy(rows0, acc.at[dstv.at[s0]], add=True)
            cvt(srcv16, s0 + 2, s32a)
            pltpu.make_async_copy(table.at[s32b], rows1, sem1).wait()
            pltpu.async_copy(table.at[s32a], rows0, sem0)
            pltpu.sync_copy(rows1, acc.at[dstv.at[s0 + 1]], add=True)

            @pl.when(s0 + 3 < _STEPS)
            def _():
                cvt(srcv16, s0 + 3, s32b)

            return carry

        lax.fori_loop(0, _STEPS // 2, step2, 0)
        s_last = _STEPS - 1
        pltpu.make_async_copy(table.at[s32a], rows0, sem0).wait()
        pltpu.sync_copy(rows0, acc.at[dstv.at[s_last]], add=True)
        plsc.subcore_barrier()
        pltpu.sync_copy(acc.at[pl.ds(row0, _RT), :],
                        out.at[cid, pl.ds(row0, _RT), :])

    return pl.kernel(
        body,
        out_type=jax.ShapeDtypeStruct((_NC, _NP, d), jnp.float32),
        mesh=_mesh,
        compiler_params=pltpu.CompilerParams(use_tc_tiling_on_sc=False,
                                             needs_layout_passes=False),
        scratch_types=[
            pltpu.VMEM_SHARED((_NP, d), jnp.float32),
            pltpu.VMEM((_STEPS, _K), jnp.int16),
            pltpu.VMEM((_STEPS, _K), jnp.int32),
            pltpu.VMEM((_K, d), jnp.float32),
            pltpu.VMEM((_K, d), jnp.float32),
            pltpu.VMEM((_K,), jnp.int32),
            pltpu.VMEM((_K,), jnp.int32),
            pltpu.SemaphoreType.DMA,
            pltpu.SemaphoreType.DMA,
        ],
    )


_agg_h = _make_agg_h16()
_agg_l = _make_agg(_L, dbl=True)

_BR = 1024
_GRID = _NP // _BR


def _dinv_of(dg):
    deg = dg[0, :] + dg[1, :]
    return jnp.where(deg > 0, lax.rsqrt(deg), 0.0)


def _tcb_body(x_ref, w_ref, dg_ref, o_ref):
    dinv = _dinv_of(dg_ref[...])
    xw = jnp.dot(x_ref[...], w_ref[...], preferred_element_type=jnp.float32)
    o_ref[...] = xw * dinv[:, None]


def _tcb_call(x_p, w1t, degs):
    return pl.pallas_call(
        _tcb_body,
        grid=(_GRID,),
        in_specs=[
            pl.BlockSpec((_BR, _IN), lambda i: (i, 0)),
            pl.BlockSpec((_IN, _H), lambda i: (0, 0)),
            pl.BlockSpec((_NC, _BR), lambda i: (0, i)),
        ],
        out_specs=pl.BlockSpec((_BR, _H), lambda i: (i, 0)),
        out_shape=jax.ShapeDtypeStruct((_NP, _H), jnp.float32),
    )(x_p, w1t, degs)


def _ln_relu(pre, g_ref, be_ref):
    mu = jnp.mean(pre, axis=1, keepdims=True)
    var = jnp.mean((pre - mu) ** 2, axis=1, keepdims=True)
    h = (pre - mu) * lax.rsqrt(var + 1e-5) * g_ref[...] + be_ref[...]
    return jnp.maximum(h, 0.0)


def _tcd_body(p_ref, dg_ref, b_ref, g_ref, be_ref, w_ref, o_ref):
    dinv = _dinv_of(dg_ref[...])
    pre = (p_ref[0] + p_ref[1]) * dinv[:, None] + b_ref[...]
    h = _ln_relu(pre, g_ref, be_ref)
    xw = jnp.dot(h, w_ref[...], preferred_element_type=jnp.float32)
    o_ref[...] = xw * dinv[:, None]


def _tcd_call(p1, degs, b1, g1, be1, w2t):
    return pl.pallas_call(
        _tcd_body,
        grid=(_GRID,),
        in_specs=[
            pl.BlockSpec((_NC, _BR, _H), lambda i: (0, i, 0)),
            pl.BlockSpec((_NC, _BR), lambda i: (0, i)),
            pl.BlockSpec((1, _H), lambda i: (0, 0)),
            pl.BlockSpec((1, _H), lambda i: (0, 0)),
            pl.BlockSpec((1, _H), lambda i: (0, 0)),
            pl.BlockSpec((_H, _L), lambda i: (0, 0)),
        ],
        out_specs=pl.BlockSpec((_BR, _L), lambda i: (i, 0)),
        out_shape=jax.ShapeDtypeStruct((_NP, _L), jnp.float32),
    )(p1, degs, b1, g1, be1, w2t)


def _tcf_body(p_ref, dg_ref, b_ref, g_ref, be_ref, bt_ref, o_ref, sums, cnts):
    i = pl.program_id(0)

    @pl.when(i == 0)
    def _():
        sums[...] = jnp.zeros_like(sums)
        cnts[...] = jnp.zeros_like(cnts)

    dinv = _dinv_of(dg_ref[...])
    pre = (p_ref[0] + p_ref[1]) * dinv[:, None] + b_ref[...]
    h2 = _ln_relu(pre, g_ref, be_ref)
    onehot = (bt_ref[...] == lax.broadcasted_iota(jnp.int32, (_BR, _B), 1)
              ).astype(jnp.float32)
    sums[...] += lax.dot_general(onehot, h2, (((0,), (0,)), ((), ())),
                                 preferred_element_type=jnp.float32)
    cnts[...] += jnp.broadcast_to(jnp.sum(onehot, axis=0)[:, None], (_B, _L))

    @pl.when(i == pl.num_programs(0) - 1)
    def _():
        o_ref[...] = sums[...] / jnp.maximum(cnts[...], 1.0)


def _tcf_call(p2, degs, b2, g2, be2, batch_p):
    return pl.pallas_call(
        _tcf_body,
        grid=(_GRID,),
        in_specs=[
            pl.BlockSpec((_NC, _BR, _L), lambda i: (0, i, 0)),
            pl.BlockSpec((_NC, _BR), lambda i: (0, i)),
            pl.BlockSpec((1, _L), lambda i: (0, 0)),
            pl.BlockSpec((1, _L), lambda i: (0, 0)),
            pl.BlockSpec((1, _L), lambda i: (0, 0)),
            pl.BlockSpec((_BR, 1), lambda i: (i, 0)),
        ],
        out_specs=pl.BlockSpec((_B, _L), lambda i: (0, 0)),
        out_shape=jax.ShapeDtypeStruct((_B, _L), jnp.float32),
        scratch_shapes=[
            pltpu.VMEM((_B, _L), jnp.float32),
            pltpu.VMEM((_B, _L), jnp.float32),
        ],
    )(p2, degs, b2, g2, be2, batch_p)


def kernel(x, edge_index, batch, W1, b1, g1, be1, W2, b2, g2, be2):
    loop = jnp.arange(_N, dtype=jnp.int32)
    pad_dst = _N + jnp.arange(_EP - _E2, dtype=jnp.int32) % (_NP - _N)
    src = jnp.concatenate([edge_index[0], loop,
                           jnp.zeros((_EP - _E2,), jnp.int32)])
    dst = jnp.concatenate([edge_index[1], loop, pad_dst])
    src3 = src.reshape(_NW, _STEPS, _K)
    src16 = src.astype(jnp.int16).reshape(_NW, _STEPS, _K)
    dst3 = dst.reshape(_NW, _STEPS, _K)
    zeros1 = jnp.zeros((_NP,), jnp.float32)
    zrows_h = jnp.zeros((_NP, _H), jnp.float32)
    zrows_l = jnp.zeros((_NP, _L), jnp.float32)
    x_p = jnp.pad(x, ((0, _NP - _N), (0, 0)))
    batch_p = jnp.pad(batch, (0, _NP - _N), constant_values=_B).reshape(_NP, 1)

    degs = _deg_call(dst3, zeros1)
    xw1 = _tcb_call(x_p, W1.T, degs)
    p1 = _agg_h(xw1, src16, dst3, zrows_h)
    xw2 = _tcd_call(p1, degs, b1.reshape(1, _H), g1.reshape(1, _H),
                    be1.reshape(1, _H), W2.T)
    p2 = _agg_l(xw2, src3, dst3, zrows_l)
    g = _tcf_call(p2, degs, b2.reshape(1, _L), g2.reshape(1, _L),
                  be2.reshape(1, _L), batch_p)
    return g

# --- scband reference (transcript-rebuilt; emitter-appended) ---
"""Pipeline reference for scband-airsspectral-gnn-59167469470500 (READ-ONLY COPY).

The authoritative reference and input builder live on the scoring server;
editing this copy changes nothing except your own understanding.
"""

import jax, jax.numpy as jnp
import numpy as np

N = 10000
E = 320000
IN = 128
H = 128
L = 64
B = 16


def setup_inputs(seed: int = 0) -> dict:
    key = jax.random.key(seed)
    ks = jax.random.split(key, 8)
    x = jax.random.normal(ks[0], (N, IN), dtype=jnp.float32)
    edge_index = jax.random.randint(ks[1], (2, E), 0, N, dtype=jnp.int32)
    batch = jnp.sort(jax.random.randint(ks[2], (N,), 0, B, dtype=jnp.int32))
    W1 = jax.random.normal(ks[3], (H, IN), dtype=jnp.float32) * 0.05
    b1 = jnp.zeros((H,), dtype=jnp.float32)
    g1 = jnp.ones((H,), dtype=jnp.float32)
    be1 = jnp.zeros((H,), dtype=jnp.float32)
    W2 = jax.random.normal(ks[4], (L, H), dtype=jnp.float32) * 0.05
    b2 = jnp.zeros((L,), dtype=jnp.float32)
    g2 = jnp.ones((L,), dtype=jnp.float32)
    be2 = jnp.zeros((L,), dtype=jnp.float32)
    return {"x": x, "edge_index": edge_index, "batch": batch,
            "W1": W1, "b1": b1, "g1": g1, "be1": be1,
            "W2": W2, "b2": b2, "g2": g2, "be2": be2}


def _gcn_conv(x, src, dst, norm, W, b):
    # PyG GCNConv: linear transform, then normalized scatter-add aggregation
    xw = x @ W.T
    msg = xw[src] * norm[:, None]
    out = jnp.zeros((N, W.shape[0]), dtype=x.dtype).at[dst].add(msg)
    return out + b


def _layer_norm(h, gamma, beta):
    mu = h.mean(axis=-1, keepdims=True)
    var = ((h - mu) ** 2).mean(axis=-1, keepdims=True)
    return (h - mu) / jnp.sqrt(var + 1e-5) * gamma + beta


def reference(x, edge_index, batch, W1, b1, g1, be1, W2, b2, g2, be2):
    # add self-loops (as PyG GCNConv does by default)
    loop = jnp.arange(N, dtype=edge_index.dtype)
    src = jnp.concatenate([edge_index[0], loop])
    dst = jnp.concatenate([edge_index[1], loop])
    deg = jnp.zeros((N,), dtype=jnp.float32).at[dst].add(1.0)
    dinv = jnp.where(deg > 0, deg ** -0.5, 0.0)
    norm = dinv[src] * dinv[dst]

    h = _gcn_conv(x, src, dst, norm, W1, b1)
    h = _layer_norm(h, g1, be1)
    h = jax.nn.relu(h)
    # dropout: eval mode (identity)
    h = _gcn_conv(h, src, dst, norm, W2, b2)
    h = _layer_norm(h, g2, be2)
    h = jax.nn.relu(h)

    # global mean pool over graph ids
    sums = jnp.zeros((B, L), dtype=h.dtype).at[batch].add(h)
    cnt = jnp.zeros((B,), dtype=jnp.float32).at[batch].add(1.0)
    g = sums / jnp.maximum(cnt, 1.0)[:, None]
    return g

if __name__ == "__main__":
    import jax
    _d = setup_inputs()
    print(jax.jit(kernel)(*tuple(_d.values())))

</pallas_src>

<mosaic_0001>
#map = affine_map<(d0, d1) -> (0, 0, 0)>
#map1 = affine_map<(d0, d1) -> (0)>
#map2 = affine_map<(d0, d1) -> (0, 0)>
module attributes {stable_mosaic.version = 14 : i64} {
  func.func @_deg_body(%arg0: i32, %arg1: i32, %arg2: memref<32x81x128xi32, #tpu.memory_space<hbm>>, %arg3: memref<10240xf32, #tpu.memory_space<hbm>>, %arg4: memref<2x10240xf32, #tpu.memory_space<hbm>>, %arg5: memref<10240xf32, #tpu.memory_space<vmem_shared>>, %arg6: memref<81x128xi32, #tpu.memory_space<vmem>>, %arg7: memref<128xf32, #tpu.memory_space<vmem>>) attributes {dimension_semantics = [#tpu.dimension_semantics<core_parallel>, #tpu.dimension_semantics<subcore_parallel>], iteration_bounds = array<i64: 2, 16>, scalar_prefetch = 0 : i64, scratch_operands = 3 : i64, tpu.core_type = #tpu.core_type<sc_vector_subcore>, window_params = [{transform_indices = #map}, {transform_indices = #map1}, {transform_indices = #map2}]} {
    %mul3A = arith.constant 16 : i32
    %mul3A_0 = arith.muli %arg0, %mul3A : i32
    %add3A = arith.addi %mul3A_0, %arg1 : i32
    %mul3A_1 = arith.constant 640 : i32
    %mul3A_2 = arith.muli %arg1, %mul3A_1 : i32
    "tpu.region"() ({
      %run_scoped3A = tpu.sem_alloc : memref<!tpu.dma_semaphore, #tpu.memory_space<semaphore_mem>>
      %dma_start3A = tpu.memref_slice %arg5[%mul3A_2] : memref<10240xf32, #tpu.memory_space<vmem_shared>> -> memref<640xf32, #tpu.memory_space<vmem_shared>>
      %dma_start3A_55 = tpu.memref_slice %arg3[%mul3A_2] : memref<10240xf32, #tpu.memory_space<hbm>> -> memref<640xf32, #tpu.memory_space<hbm>>
      tpu.enqueue_dma source(%dma_start3A_55 : memref<640xf32, #tpu.memory_space<hbm>>) target(%dma_start3A : memref<640xf32, #tpu.memory_space<vmem_shared>>) target_semaphore(%run_scoped3A : memref<!tpu.dma_semaphore, #tpu.memory_space<semaphore_mem>>)
      %dma_wait3A = tpu.memref_slice %arg5[%mul3A_2] : memref<10240xf32, #tpu.memory_space<vmem_shared>> -> memref<640xf32, #tpu.memory_space<vmem_shared>>
      %dma_wait3A_56 = tpu.memref_slice %arg3[%mul3A_2] : memref<10240xf32, #tpu.memory_space<hbm>> -> memref<640xf32, #tpu.memory_space<hbm>>
      tpu.wait_dma2 semaphore(%run_scoped3A : memref<!tpu.dma_semaphore, #tpu.memory_space<semaphore_mem>>) src(%dma_wait3A_56 : memref<640xf32, #tpu.memory_space<hbm>>) dst(%dma_wait3A : memref<640xf32, #tpu.memory_space<vmem_shared>>)
      tpu.yield
    }) : () -> ()
    "tpu.region"() ({
      %run_scoped3A = tpu.sem_alloc : memref<!tpu.dma_semaphore, #tpu.memory_space<semaphore_mem>>
      %dma_start3A = arith.constant 0 : i32
      %dma_start3A_55 = arith.constant 0 : i32
      %dma_start3A_56 = tpu.memref_slice %arg2[%add3A, %dma_start3A, %dma_start3A_55] : memref<32x81x128xi32, #tpu.memory_space<hbm>> -> memref<1x81x128xi32, #tpu.memory_space<hbm>>
      %dma_start3A_57 = tpu.memref_squeeze %dma_start3A_56 : memref<1x81x128xi32, #tpu.memory_space<hbm>> -> memref<81x128xi32, #tpu.memory_space<hbm>>
      %dma_start3A_58 = arith.constant 0 : i32
      %dma_start3A_59 = arith.constant 0 : i32
      %dma_start3A_60 = tpu.memref_slice %arg2[%add3A, %dma_start3A_58, %dma_start3A_59] : memref<32x81x128xi32, #tpu.memory_space<hbm>> -> memref<1x81x128xi32, #tpu.memory_space<hbm>>
      %dma_start3A_61 = tpu.memref_squeeze %dma_start3A_60 : memref<1x81x128xi32, #tpu.memory_space<hbm>> -> memref<81x128xi32, #tpu.memory_space<hbm>>
      tpu.enqueue_dma source(%dma_start3A_61 : memref<81x128xi32, #tpu.memory_space<hbm>>) target(%arg6 : memref<81x128xi32, #tpu.memory_space<vmem>>) target_semaphore(%run_scoped3A : memref<!tpu.dma_semaphore, #tpu.memory_space<semaphore_mem>>)
      %dma_wait3A = arith.constant 0 : i32
      %dma_wait3A_62 = arith.constant 0 : i32
      %dma_wait3A_63 = tpu.memref_slice %arg2[%add3A, %dma_wait3A, %dma_wait3A_62] : memref<32x81x128xi32, #tpu.memory_space<hbm>> -> memref<1x81x128xi32, #tpu.memory_space<hbm>>
      %dma_wait3A_64 = tpu.memref_squeeze %dma_wait3A_63 : memref<1x81x128xi32, #tpu.memory_space<hbm>> -> memref<81x128xi32, #tpu.memory_space<hbm>>
      %dma_wait3A_65 = arith.constant 0 : i32
      %dma_wait3A_66 = arith.constant 0 : i32
      %dma_wait3A_67 = tpu.memref_slice %arg2[%add3A, %dma_wait3A_65, %dma_wait3A_66] : memref<32x81x128xi32, #tpu.memory_space<hbm>> -> memref<1x81x128xi32, #tpu.memory_space<hbm>>
      %dma_wait3A_68 = tpu.memref_squeeze %dma_wait3A_67 : memref<1x81x128xi32, #tpu.memory_space<hbm>> -> memref<81x128xi32, #tpu.memory_space<hbm>>
      tpu.wait_dma2 semaphore(%run_scoped3A : memref<!tpu.dma_semaphore, #tpu.memory_space<semaphore_mem>>) src(%dma_wait3A_68 : memref<81x128xi32, #tpu.memory_space<hbm>>) dst(%arg6 : memref<81x128xi32, #tpu.memory_space<vmem>>)
      tpu.yield
    }) : () -> ()
    %broadcast_in_dim3A = arith.constant 1.000000e+00 : f32
    %broadcast_in_dim3A_3 = vector.broadcast %broadcast_in_dim3A : f32 to vector<16xf32>
    %swap3A = arith.constant 0 : index
    %swap3A_4 = tpu.vector_load %arg7[%swap3A] {strides = array<i32>} : memref<128xf32, #tpu.memory_space<vmem>>, vector<16xf32>,
    %swap3A_5 = vector.shape_cast %swap3A_4 : vector<16xf32> to vector<16xf32>
    %swap3A_6 = vector.shape_cast %broadcast_in_dim3A_3 : vector<16xf32> to vector<16xf32>
    tpu.vector_store %arg7[%swap3A], %swap3A_6 {strides = array<i32>} : memref<128xf32, #tpu.memory_space<vmem>>, vector<16xf32>,
    %broadcast_in_dim3A_7 = arith.constant 1.000000e+00 : f32
    %broadcast_in_dim3A_8 = vector.broadcast %broadcast_in_dim3A_7 : f32 to vector<16xf32>
    %swap3A_9 = arith.constant 16 : index
    %swap3A_10 = tpu.vector_load %arg7[%swap3A_9] {strides = array<i32>} : memref<128xf32, #tpu.memory_space<vmem>>, vector<16xf32>,
    %swap3A_11 = vector.shape_cast %swap3A_10 : vector<16xf32> to vector<16xf32>
    %swap3A_12 = vector.shape_cast %broadcast_in_dim3A_8 : vector<16xf32> to vector<16xf32>
    tpu.vector_store %arg7[%swap3A_9], %swap3A_12 {strides = array<i32>} : memref<128xf32, #tpu.memory_space<vmem>>, vector<16xf32>,
    %broadcast_in_dim3A_13 = arith.constant 1.000000e+00 : f32
    %broadcast_in_dim3A_14 = vector.broadcast %broadcast_in_dim3A_13 : f32 to vector<16xf32>
    %swap3A_15 = arith.constant 32 : index
    %swap3A_16 = tpu.vector_load %arg7[%swap3A_15] {strides = array<i32>} : memref<128xf32, #tpu.memory_space<vmem>>, vector<16xf32>,
    %swap3A_17 = vector.shape_cast %swap3A_16 : vector<16xf32> to vector<16xf32>
    %swap3A_18 = vector.shape_cast %broadcast_in_dim3A_14 : vector<16xf32> to vector<16xf32>
    tpu.vector_store %arg7[%swap3A_15], %swap3A_18 {strides = array<i32>} : memref<128xf32, #tpu.memory_space<vmem>>, vector<16xf32>,
    %broadcast_in_dim3A_19 = arith.constant 1.000000e+00 : f32
    %broadcast_in_dim3A_20 = vector.broadcast %broadcast_in_dim3A_19 : f32 to vector<16xf32>
    %swap3A_21 = arith.constant 48 : index
    %swap3A_22 = tpu.vector_load %arg7[%swap3A_21] {strides = array<i32>} : memref<128xf32, #tpu.memory_space<vmem>>, vector<16xf32>,
    %swap3A_23 = vector.shape_cast %swap3A_22 : vector<16xf32> to vector<16xf32>
    %swap3A_24 = vector.shape_cast %broadcast_in_dim3A_20 : vector<16xf32> to vector<16xf32>
    tpu.vector_store %arg7[%swap3A_21], %swap3A_24 {strides = array<i32>} : memref<128xf32, #tpu.memory_space<vmem>>, vector<16xf32>,
    %broadcast_in_dim3A_25 = arith.constant 1.000000e+00 : f32
    %broadcast_in_dim3A_26 = vector.broadcast %broadcast_in_dim3A_25 : f32 to vector<16xf32>
    %swap3A_27 = arith.constant 64 : index
    %swap3A_28 = tpu.vector_load %arg7[%swap3A_27] {strides = array<i32>} : memref<128xf32, #tpu.memory_space<vmem>>, vector<16xf32>,
    %swap3A_29 = vector.shape_cast %swap3A_28 : vector<16xf32> to vector<16xf32>
    %swap3A_30 = vector.shape_cast %broadcast_in_dim3A_26 : vector<16xf32> to vector<16xf32>
    tpu.vector_store %arg7[%swap3A_27], %swap3A_30 {strides = array<i32>} : memref<128xf32, #tpu.memory_space<vmem>>, vector<16xf32>,
    %broadcast_in_dim3A_31 = arith.constant 1.000000e+00 : f32
    %broadcast_in_dim3A_32 = vector.broadcast %broadcast_in_dim3A_31 : f32 to vector<16xf32>
    %swap3A_33 = arith.constant 80 : index
    %swap3A_34 = tpu.vector_load %arg7[%swap3A_33] {strides = array<i32>} : memref<128xf32, #tpu.memory_space<vmem>>, vector<16xf32>,
    %swap3A_35 = vector.shape_cast %swap3A_34 : vector<16xf32> to vector<16xf32>
    %swap3A_36 = vector.shape_cast %broadcast_in_dim3A_32 : vector<16xf32> to vector<16xf32>
    tpu.vector_store %arg7[%swap3A_33], %swap3A_36 {strides = array<i32>} : memref<128xf32, #tpu.memory_space<vmem>>, vector<16xf32>,
    %broadcast_in_dim3A_37 = arith.constant 1.000000e+00 : f32
    %broadcast_in_dim3A_38 = vector.broadcast %broadcast_in_dim3A_37 : f32 to vector<16xf32>
    %swap3A_39 = arith.constant 96 : index
    %swap3A_40 = tpu.vector_load %arg7[%swap3A_39] {strides = array<i32>} : memref<128xf32, #tpu.memory_space<vmem>>, vector<16xf32>,
    %swap3A_41 = vector.shape_cast %swap3A_40 : vector<16xf32> to vector<16xf32>
    %swap3A_42 = vector.shape_cast %broadcast_in_dim3A_38 : vector<16xf32> to vector<16xf32>
    tpu.vector_store %arg7[%swap3A_39], %swap3A_42 {strides = array<i32>} : memref<128xf32, #tpu.memory_space<vmem>>, vector<16xf32>,
    %broadcast_in_dim3A_43 = arith.constant 1.000000e+00 : f32
    %broadcast_in_dim3A_44 = vector.broadcast %broadcast_in_dim3A_43 : f32 to vector<16xf32>
    %swap3A_45 = arith.constant 112 : index
    %swap3A_46 = tpu.vector_load %arg7[%swap3A_45] {strides = array<i32>} : memref<128xf32, #tpu.memory_space<vmem>>, vector<16xf32>,
    %swap3A_47 = vector.shape_cast %swap3A_46 : vector<16xf32> to vector<16xf32>
    %swap3A_48 = vector.shape_cast %broadcast_in_dim3A_44 : vector<16xf32> to vector<16xf32>
    tpu.vector_store %arg7[%swap3A_45], %swap3A_48 {strides = array<i32>} : memref<128xf32, #tpu.memory_space<vmem>>, vector<16xf32>,
    %barrier3A = arith.constant 0 : index
    tpu.barrier barrier_id(%barrier3A)
    %scan3A = arith.constant 0 : i32
    %scan3A_49 = arith.constant 0 : i32
    %scan3A_50 = arith.constant 81 : i32
    %scan3A_51 = arith.addi %scan3A_49, %scan3A_50 : i32
    %scan3A_52 = arith.constant 1 : i32
    scf.for %scan3A_55 = %scan3A_49 to %scan3A_51 step %scan3A_52  : i32 {
      "tpu.region"() ({
        %run_scoped3A = tpu.sem_alloc : memref<!tpu.dma_semaphore, #tpu.memory_space<semaphore_mem>>
        %dma_start3A = arith.constant 0 : i32
        %dma_start3A_56 = tpu.memref_slice %arg6[%scan3A_55, %dma_start3A] : memref<81x128xi32, #tpu.memory_space<vmem>> -> memref<1x128xi32, #tpu.memory_space<vmem>>
        %dma_start3A_57 = tpu.memref_squeeze %dma_start3A_56 : memref<1x128xi32, #tpu.memory_space<vmem>> -> memref<128xi32, #tpu.memory_space<vmem>>
        %dma_start3A_58 = arith.constant 0 : i32
        %dma_start3A_59 = tpu.memref_slice %arg5[%dma_start3A_58] : memref<10240xf32, #tpu.memory_space<vmem_shared>> -> memref<10240xf32, #tpu.memory_space<vmem_shared>>
        tpu.enqueue_indirect_dma source(%arg7 : memref<128xf32, #tpu.memory_space<vmem>>) target(%dma_start3A_59 : memref<10240xf32, #tpu.memory_space<vmem_shared>>) offsets(%dma_start3A_57 : memref<128xi32, #tpu.memory_space<vmem>>) semaphore(%run_scoped3A : memref<!tpu.dma_semaphore, #tpu.memory_space<semaphore_mem>>) {add = true}
        %dma_wait3A = arith.constant 0 : i32
        %dma_wait3A_60 = tpu.memref_slice %arg6[%scan3A_55, %dma_wait3A] : memref<81x128xi32, #tpu.memory_space<vmem>> -> memref<1x128xi32, #tpu.memory_space<vmem>>
        %dma_wait3A_61 = tpu.memref_squeeze %dma_wait3A_60 : memref<1x128xi32, #tpu.memory_space<vmem>> -> memref<128xi32, #tpu.memory_space<vmem>>
        %dma_wait3A_62 = arith.constant 0 : i32
        %dma_wait3A_63 = tpu.memref_slice %arg5[%dma_wait3A_62] : memref<10240xf32, #tpu.memory_space<vmem_shared>> -> memref<10240xf32, #tpu.memory_space<vmem_shared>>
        tpu.wait_indirect_dma semaphore(%run_scoped3A : memref<!tpu.dma_semaphore, #tpu.memory_space<semaphore_mem>>) src(%arg7 : memref<128xf32, #tpu.memory_space<vmem>>) dst(%dma_wait3A_63 : memref<10240xf32, #tpu.memory_space<vmem_shared>>)
        tpu.yield
      }) : () -> ()
    }
    %scan3A_53 = arith.constant 81 : i32
    %barrier3A_54 = arith.constant 0 : index
    tpu.barrier barrier_id(%barrier3A_54)
    "tpu.region"() ({
      %run_scoped3A = tpu.sem_alloc : memref<!tpu.dma_semaphore, #tpu.memory_space<semaphore_mem>>
      %dma_start3A = tpu.memref_slice %arg4[%arg0, %mul3A_2] : memref<2x10240xf32, #tpu.memory_space<hbm>> -> memref<1x640xf32, #tpu.memory_space<hbm>>
      %dma_start3A_55 = tpu.memref_squeeze %dma_start3A : memref<1x640xf32, #tpu.memory_space<hbm>> -> memref<640xf32, #tpu.memory_space<hbm>>
      %dma_start3A_56 = tpu.memref_slice %arg5[%mul3A_2] : memref<10240xf32, #tpu.memory_space<vmem_shared>> -> memref<640xf32, #tpu.memory_space<vmem_shared>>
      tpu.enqueue_dma source(%dma_start3A_56 : memref<640xf32, #tpu.memory_space<vmem_shared>>) target(%dma_start3A_55 : memref<640xf32, #tpu.memory_space<hbm>>) target_semaphore(%run_scoped3A : memref<!tpu.dma_semaphore, #tpu.memory_space<semaphore_mem>>)
      %dma_wait3A = tpu.memref_slice %arg4[%arg0, %mul3A_2] : memref<2x10240xf32, #tpu.memory_space<hbm>> -> memref<1x640xf32, #tpu.memory_space<hbm>>
      %dma_wait3A_57 = tpu.memref_squeeze %dma_wait3A : memref<1x640xf32, #tpu.memory_space<hbm>> -> memref<640xf32, #tpu.memory_space<hbm>>
      %dma_wait3A_58 = tpu.memref_slice %arg5[%mul3A_2] : memref<10240xf32, #tpu.memory_space<vmem_shared>> -> memref<640xf32, #tpu.memory_space<vmem_shared>>
      tpu.wait_dma2 semaphore(%run_scoped3A : memref<!tpu.dma_semaphore, #tpu.memory_space<semaphore_mem>>) src(%dma_wait3A_58 : memref<640xf32, #tpu.memory_space<vmem_shared>>) dst(%dma_wait3A_57 : memref<640xf32, #tpu.memory_space<hbm>>)
      tpu.yield
    }) : () -> ()
    return
  }
}

#map = affine_map<(d0, d1) -> (0, 0)>
#map1 = affine_map<(d0, d1) -> (0, 0, 0)>
module attributes {stable_mosaic.version = 14 : i64} {
  func.func @body_dbl(%arg0: i32, %arg1: i32, %arg2: memref<10240x64xf32, #tpu.memory_space<hbm>>, %arg3: memref<32x81x128xi32, #tpu.memory_space<hbm>>, %arg4: memref<32x81x128xi32, #tpu.memory_space<hbm>>, %arg5: memref<10240x64xf32, #tpu.memory_space<hbm>>, %arg6: memref<2x10240x64xf32, #tpu.memory_space<hbm>>, %arg7: memref<10240x64xf32, #tpu.memory_space<vmem_shared>>, %arg8: memref<81x128xi32, #tpu.memory_space<vmem>>, %arg9: memref<81x128xi32, #tpu.memory_space<vmem>>, %arg10: memref<128x64xf32, #tpu.memory_space<vmem>>, %arg11: memref<128x64xf32, #tpu.memory_space<vmem>>, %arg12: memref<!tpu.dma_semaphore, #tpu.memory_space<semaphore_mem>>, %arg13: memref<!tpu.dma_semaphore, #tpu.memory_space<semaphore_mem>>) attributes {dimension_semantics = [#tpu.dimension_semantics<core_parallel>, #tpu.dimension_semantics<subcore_parallel>], iteration_bounds = array<i64: 2, 16>, scalar_prefetch = 0 : i64, scratch_operands = 7 : i64, tpu.core_type = #tpu.core_type<sc_vector_subcore>, window_params = [{transform_indices = #map}, {transform_indices = #map1}, {transform_indices = #map1}, {transform_indices = #map}, {transform_indices = #map1}]} {
    %mul3A = arith.constant 16 : i32
    %mul3A_0 = arith.muli %arg0, %mul3A : i32
    %add3A = arith.addi %mul3A_0, %arg1 : i32
    %mul3A_1 = arith.constant 640 : i32
    %mul3A_2 = arith.muli %arg1, %mul3A_1 : i32
    "tpu.region"() ({
      %run_scoped3A_21 = tpu.sem_alloc : memref<!tpu.dma_semaphore, #tpu.memory_space<semaphore_mem>>
      %dma_start3A_22 = arith.constant 0 : i32
      %dma_start3A_23 = tpu.memref_slice %arg7[%mul3A_2, %dma_start3A_22] : memref<10240x64xf32, #tpu.memory_space<vmem_shared>> -> memref<640x64xf32, #tpu.memory_space<vmem_shared>>
      %dma_start3A_24 = arith.constant 0 : i32
      %dma_start3A_25 = tpu.memref_slice %arg5[%mul3A_2, %dma_start3A_24] : memref<10240x64xf32, #tpu.memory_space<hbm>> -> memref<640x64xf32, #tpu.memory_space<hbm>>
      tpu.enqueue_dma source(%dma_start3A_25 : memref<640x64xf32, #tpu.memory_space<hbm>>) target(%dma_start3A_23 : memref<640x64xf32, #tpu.memory_space<vmem_shared>>) target_semaphore(%run_scoped3A_21 : memref<!tpu.dma_semaphore, #tpu.memory_space<semaphore_mem>>)
      %dma_wait3A_26 = arith.constant 0 : i32
      %dma_wait3A_27 = tpu.memref_slice %arg7[%mul3A_2, %dma_wait3A_26] : memref<10240x64xf32, #tpu.memory_space<vmem_shared>> -> memref<640x64xf32, #tpu.memory_space<vmem_shared>>
      %dma_wait3A_28 = arith.constant 0 : i32
      %dma_wait3A_29 = tpu.memref_slice %arg5[%mul3A_2, %dma_wait3A_28] : memref<10240x64xf32, #tpu.memory_space<hbm>> -> memref<640x64xf32, #tpu.memory_space<hbm>>
      tpu.wait_dma2 semaphore(%run_scoped3A_21 : memref<!tpu.dma_semaphore, #tpu.memory_space<semaphore_mem>>) src(%dma_wait3A_29 : memref<640x64xf32, #tpu.memory_space<hbm>>) dst(%dma_wait3A_27 : memref<640x64xf32, #tpu.memory_space<vmem_shared>>)
      tpu.yield
    }) : () -> ()
    "tpu.region"() ({
      %run_scoped3A_21 = tpu.sem_alloc : memref<!tpu.dma_semaphore, #tpu.memory_space<semaphore_mem>>
      %dma_start3A_22 = arith.constant 0 : i32
      %dma_start3A_23 = arith.constant 0 : i32
      %dma_start3A_24 = tpu.memref_slice %arg3[%add3A, %dma_start3A_22, %dma_start3A_23] : memref<32x81x128xi32, #tpu.memory_space<hbm>> -> memref<1x81x128xi32, #tpu.memory_space<hbm>>
      %dma_start3A_25 = tpu.memref_squeeze %dma_start3A_24 : memref<1x81x128xi32, #tpu.memory_space<hbm>> -> memref<81x128xi32, #tpu.memory_space<hbm>>
      %dma_start3A_26 = arith.constant 0 : i32
      %dma_start3A_27 = arith.constant 0 : i32
      %dma_start3A_28 = tpu.memref_slice %arg3[%add3A, %dma_start3A_26, %dma_start3A_27] : memref<32x81x128xi32, #tpu.memory_space<hbm>> -> memref<1x81x128xi32, #tpu.memory_space<hbm>>
      %dma_start3A_29 = tpu.memref_squeeze %dma_start3A_28 : memref<1x81x128xi32, #tpu.memory_space<hbm>> -> memref<81x128xi32, #tpu.memory_space<hbm>>
      tpu.enqueue_dma source(%dma_start3A_29 : memref<81x128xi32, #tpu.memory_space<hbm>>) target(%arg8 : memref<81x128xi32, #tpu.memory_space<vmem>>) target_semaphore(%run_scoped3A_21 : memref<!tpu.dma_semaphore, #tpu.memory_space<semaphore_mem>>)
      %dma_wait3A_30 = arith.constant 0 : i32
      %dma_wait3A_31 = arith.constant 0 : i32
      %dma_wait3A_32 = tpu.memref_slice %arg3[%add3A, %dma_wait3A_30, %dma_wait3A_31] : memref<32x81x128xi32, #tpu.memory_space<hbm>> -> memref<1x81x128xi32, #tpu.memory_space<hbm>>
      %dma_wait3A_33 = tpu.memref_squeeze %dma_wait3A_32 : memref<1x81x128xi32, #tpu.memory_space<hbm>> -> memref<81x128xi32, #tpu.memory_space<hbm>>
      %dma_wait3A_34 = arith.constant 0 : i32
      %dma_wait3A_35 = arith.constant 0 : i32
      %dma_wait3A_36 = tpu.memref_slice %arg3[%add3A, %dma_wait3A_34, %dma_wait3A_35] : memref<32x81x128xi32, #tpu.memory_space<hbm>> -> memref<1x81x128xi32, #tpu.memory_space<hbm>>
      %dma_wait3A_37 = tpu.memref_squeeze %dma_wait3A_36 : memref<1x81x128xi32, #tpu.memory_space<hbm>> -> memref<81x128xi32, #tpu.memory_space<hbm>>
      tpu.wait_dma2 semaphore(%run_scoped3A_21 : memref<!tpu.dma_semaphore, #tpu.memory_space<semaphore_mem>>) src(%dma_wait3A_37 : memref<81x128xi32, #tpu.memory_space<hbm>>) dst(%arg8 : memref<81x128xi32, #tpu.memory_space<vmem>>)
      tpu.yield
    }) : () -> ()
    "tpu.region"() ({
      %run_scoped3A_21 = tpu.sem_alloc : memref<!tpu.dma_semaphore, #tpu.memory_space<semaphore_mem>>
      %dma_start3A_22 = arith.constant 0 : i32
      %dma_start3A_23 = arith.constant 0 : i32
      %dma_start3A_24 = tpu.memref_slice %arg4[%add3A, %dma_start3A_22, %dma_start3A_23] : memref<32x81x128xi32, #tpu.memory_space<hbm>> -> memref<1x81x128xi32, #tpu.memory_space<hbm>>
      %dma_start3A_25 = tpu.memref_squeeze %dma_start3A_24 : memref<1x81x128xi32, #tpu.memory_space<hbm>> -> memref<81x128xi32, #tpu.memory_space<hbm>>
      %dma_start3A_26 = arith.constant 0 : i32
      %dma_start3A_27 = arith.constant 0 : i32
      %dma_start3A_28 = tpu.memref_slice %arg4[%add3A, %dma_start3A_26, %dma_start3A_27] : memref<32x81x128xi32, #tpu.memory_space<hbm>> -> memref<1x81x128xi32, #tpu.memory_space<hbm>>
      %dma_start3A_29 = tpu.memref_squeeze %dma_start3A_28 : memref<1x81x128xi32, #tpu.memory_space<hbm>> -> memref<81x128xi32, #tpu.memory_space<hbm>>
      tpu.enqueue_dma source(%dma_start3A_29 : memref<81x128xi32, #tpu.memory_space<hbm>>) target(%arg9 : memref<81x128xi32, #tpu.memory_space<vmem>>) target_semaphore(%run_scoped3A_21 : memref<!tpu.dma_semaphore, #tpu.memory_space<semaphore_mem>>)
      %dma_wait3A_30 = arith.constant 0 : i32
      %dma_wait3A_31 = arith.constant 0 : i32
      %dma_wait3A_32 = tpu.memref_slice %arg4[%add3A, %dma_wait3A_30, %dma_wait3A_31] : memref<32x81x128xi32, #tpu.memory_space<hbm>> -> memref<1x81x128xi32, #tpu.memory_space<hbm>>
      %dma_wait3A_33 = tpu.memref_squeeze %dma_wait3A_32 : memref<1x81x128xi32, #tpu.memory_space<hbm>> -> memref<81x128xi32, #tpu.memory_space<hbm>>
      %dma_wait3A_34 = arith.constant 0 : i32
      %dma_wait3A_35 = arith.constant 0 : i32
      %dma_wait3A_36 = tpu.memref_slice %arg4[%add3A, %dma_wait3A_34, %dma_wait3A_35] : memref<32x81x128xi32, #tpu.memory_space<hbm>> -> memref<1x81x128xi32, #tpu.memory_space<hbm>>
      %dma_wait3A_37 = tpu.memref_squeeze %dma_wait3A_36 : memref<1x81x128xi32, #tpu.memory_space<hbm>> -> memref<81x128xi32, #tpu.memory_space<hbm>>
      tpu.wait_dma2 semaphore(%run_scoped3A_21 : memref<!tpu.dma_semaphore, #tpu.memory_space<semaphore_mem>>) src(%dma_wait3A_37 : memref<81x128xi32, #tpu.memory_space<hbm>>) dst(%arg9 : memref<81x128xi32, #tpu.memory_space<vmem>>)
      tpu.yield
    }) : () -> ()
    %barrier3A = arith.constant 0 : index
    tpu.barrier barrier_id(%barrier3A)
    %dma_start3A = arith.constant 0 : i32
    %dma_start3A_3 = arith.constant 0 : i32
    %dma_start3A_4 = tpu.memref_slice %arg8[%dma_start3A, %dma_start3A_3] : memref<81x128xi32, #tpu.memory_space<vmem>> -> memref<1x128xi32, #tpu.memory_space<vmem>>
    %dma_start3A_5 = tpu.memref_squeeze %dma_start3A_4 : memref<1x128xi32, #tpu.memory_space<vmem>> -> memref<128xi32, #tpu.memory_space<vmem>>
    %dma_start3A_6 = arith.constant 0 : i32
    %dma_start3A_7 = arith.constant 0 : i32
    %dma_start3A_8 = tpu.memref_slice %arg2[%dma_start3A_6, %dma_start3A_7] : memref<10240x64xf32, #tpu.memory_space<hbm>> -> memref<10240x64xf32, #tpu.memory_space<hbm>>
    tpu.enqueue_indirect_dma source(%dma_start3A_8 : memref<10240x64xf32, #tpu.memory_space<hbm>>) target(%arg10 : memref<128x64xf32, #tpu.memory_space<vmem>>) offsets(%dma_start3A_5 : memref<128xi32, #tpu.memory_space<vmem>>) semaphore(%arg12 : memref<!tpu.dma_semaphore, #tpu.memory_space<semaphore_mem>>)
    %scan3A = arith.constant 0 : i32
    %scan3A_9 = arith.constant 0 : i32
    %scan3A_10 = arith.constant 40 : i32
    %scan3A_11 = arith.addi %scan3A_9, %scan3A_10 : i32
    %scan3A_12 = arith.constant 1 : i32
    scf.for %scan3A_21 = %scan3A_9 to %scan3A_11 step %scan3A_12  : i32 {
      %mul3A_22 = arith.constant 2 : i32
      %mul3A_23 = arith.muli %mul3A_22, %scan3A_21 : i32
      %dma_wait3A_24 = arith.constant 0 : i32
      %dma_wait3A_25 = tpu.memref_slice %arg8[%mul3A_23, %dma_wait3A_24] : memref<81x128xi32, #tpu.memory_space<vmem>> -> memref<1x128xi32, #tpu.memory_space<vmem>>
      %dma_wait3A_26 = tpu.memref_squeeze %dma_wait3A_25 : memref<1x128xi32, #tpu.memory_space<vmem>> -> memref<128xi32, #tpu.memory_space<vmem>>
      %dma_wait3A_27 = arith.constant 0 : i32
      %dma_wait3A_28 = arith.constant 0 : i32
      %dma_wait3A_29 = tpu.memref_slice %arg2[%dma_wait3A_27, %dma_wait3A_28] : memref<10240x64xf32, #tpu.memory_space<hbm>> -> memref<10240x64xf32, #tpu.memory_space<hbm>>
      tpu.wait_indirect_dma semaphore(%arg12 : memref<!tpu.dma_semaphore, #tpu.memory_space<semaphore_mem>>) src(%dma_wait3A_29 : memref<10240x64xf32, #tpu.memory_space<hbm>>) dst(%arg10 : memref<128x64xf32, #tpu.memory_space<vmem>>)
      %add3A_30 = arith.constant 1 : i32
      %add3A_31 = arith.addi %mul3A_23, %add3A_30 : i32
      %dma_start3A_32 = arith.constant 0 : i32
      %dma_start3A_33 = tpu.memref_slice %arg8[%add3A_31, %dma_start3A_32] : memref<81x128xi32, #tpu.memory_space<vmem>> -> memref<1x128xi32, #tpu.memory_space<vmem>>
      %dma_start3A_34 = tpu.memref_squeeze %dma_start3A_33 : memref<1x128xi32, #tpu.memory_space<vmem>> -> memref<128xi32, #tpu.memory_space<vmem>>
      %dma_start3A_35 = arith.constant 0 : i32
      %dma_start3A_36 = arith.constant 0 : i32
      %dma_start3A_37 = tpu.memref_slice %arg2[%dma_start3A_35, %dma_start3A_36] : memref<10240x64xf32, #tpu.memory_space<hbm>> -> memref<10240x64xf32, #tpu.memory_space<hbm>>
      tpu.enqueue_indirect_dma source(%dma_start3A_37 : memref<10240x64xf32, #tpu.memory_space<hbm>>) target(%arg11 : memref<128x64xf32, #tpu.memory_space<vmem>>) offsets(%dma_start3A_34 : memref<128xi32, #tpu.memory_space<vmem>>) semaphore(%arg13 : memref<!tpu.dma_semaphore, #tpu.memory_space<semaphore_mem>>)
      "tpu.region"() ({
        %run_scoped3A_56 = tpu.sem_alloc : memref<!tpu.dma_semaphore, #tpu.memory_space<semaphore_mem>>
        %dma_start3A_57 = arith.constant 0 : i32
        %dma_start3A_58 = tpu.memref_slice %arg9[%mul3A_23, %dma_start3A_57] : memref<81x128xi32, #tpu.memory_space<vmem>> -> memref<1x128xi32, #tpu.memory_space<vmem>>
        %dma_start3A_59 = tpu.memref_squeeze %dma_start3A_58 : memref<1x128xi32, #tpu.memory_space<vmem>> -> memref<128xi32, #tpu.memory_space<vmem>>
        %dma_start3A_60 = arith.constant 0 : i32
        %dma_start3A_61 = arith.constant 0 : i32
        %dma_start3A_62 = tpu.memref_slice %arg7[%dma_start3A_60, %dma_start3A_61] : memref<10240x64xf32, #tpu.memory_space<vmem_shared>> -> memref<10240x64xf32, #tpu.memory_space<vmem_shared>>
        tpu.enqueue_indirect_dma source(%arg10 : memref<128x64xf32, #tpu.memory_space<vmem>>) target(%dma_start3A_62 : memref<10240x64xf32, #tpu.memory_space<vmem_shared>>) offsets(%dma_start3A_59 : memref<128xi32, #tpu.memory_space<vmem>>) semaphore(%run_scoped3A_56 : memref<!tpu.dma_semaphore, #tpu.memory_space<semaphore_mem>>) {add = true}
        %dma_wait3A_63 = arith.constant 0 : i32
        %dma_wait3A_64 = tpu.memref_slice %arg9[%mul3A_23, %dma_wait3A_63] : memref<81x128xi32, #tpu.memory_space<vmem>> -> memref<1x128xi32, #tpu.memory_space<vmem>>
        %dma_wait3A_65 = tpu.memref_squeeze %dma_wait3A_64 : memref<1x128xi32, #tpu.memory_space<vmem>> -> memref<128xi32, #tpu.memory_space<vmem>>
        %dma_wait3A_66 = arith.constant 0 : i32
        %dma_wait3A_67 = arith.constant 0 : i32
        %dma_wait3A_68 = tpu.memref_slice %arg7[%dma_wait3A_66, %dma_wait3A_67] : memref<10240x64xf32, #tpu.memory_space<vmem_shared>> -> memref<10240x64xf32, #tpu.memory_space<vmem_shared>>
        tpu.wait_indirect_dma semaphore(%run_scoped3A_56 : memref<!tpu.dma_semaphore, #tpu.memory_space<semaphore_mem>>) src(%arg10 : memref<128x64xf32, #tpu.memory_space<vmem>>) dst(%dma_wait3A_68 : memref<10240x64xf32, #tpu.memory_space<vmem_shared>>)
        tpu.yield
      }) : () -> ()
      %add3A_38 = arith.constant 1 : i32
      %add3A_39 = arith.addi %mul3A_23, %add3A_38 : i32
      %dma_wait3A_40 = arith.constant 0 : i32
      %dma_wait3A_41 = tpu.memref_slice %arg8[%add3A_39, %dma_wait3A_40] : memref<81x128xi32, #tpu.memory_space<vmem>> -> memref<1x128xi32, #tpu.memory_space<vmem>>
      %dma_wait3A_42 = tpu.memref_squeeze %dma_wait3A_41 : memref<1x128xi32, #tpu.memory_space<vmem>> -> memref<128xi32, #tpu.memory_space<vmem>>
      %dma_wait3A_43 = arith.constant 0 : i32
      %dma_wait3A_44 = arith.constant 0 : i32
      %dma_wait3A_45 = tpu.memref_slice %arg2[%dma_wait3A_43, %dma_wait3A_44] : memref<10240x64xf32, #tpu.memory_space<hbm>> -> memref<10240x64xf32, #tpu.memory_space<hbm>>
      tpu.wait_indirect_dma semaphore(%arg13 : memref<!tpu.dma_semaphore, #tpu.memory_space<semaphore_mem>>) src(%dma_wait3A_45 : memref<10240x64xf32, #tpu.memory_space<hbm>>) dst(%arg11 : memref<128x64xf32, #tpu.memory_space<vmem>>)
      %add3A_46 = arith.constant 2 : i32
      %add3A_47 = arith.addi %mul3A_23, %add3A_46 : i32
      %dma_start3A_48 = arith.constant 0 : i32
      %dma_start3A_49 = tpu.memref_slice %arg8[%add3A_47, %dma_start3A_48] : memref<81x128xi32, #tpu.memory_space<vmem>> -> memref<1x128xi32, #tpu.memory_space<vmem>>
      %dma_start3A_50 = tpu.memref_squeeze %dma_start3A_49 : memref<1x128xi32, #tpu.memory_space<vmem>> -> memref<128xi32, #tpu.memory_space<vmem>>
      %dma_start3A_51 = arith.constant 0 : i32
      %dma_start3A_52 = arith.constant 0 : i32
      %dma_start3A_53 = tpu.memref_slice %arg2[%dma_start3A_51, %dma_start3A_52] : memref<10240x64xf32, #tpu.memory_space<hbm>> -> memref<10240x64xf32, #tpu.memory_space<hbm>>
      tpu.enqueue_indirect_dma source(%dma_start3A_53 : memref<10240x64xf32, #tpu.memory_space<hbm>>) target(%arg10 : memref<128x64xf32, #tpu.memory_space<vmem>>) offsets(%dma_start3A_50 : memref<128xi32, #tpu.memory_space<vmem>>) semaphore(%arg12 : memref<!tpu.dma_semaphore, #tpu.memory_space<semaphore_mem>>)
      %add3A_54 = arith.constant 1 : i32
      %add3A_55 = arith.addi %mul3A_23, %add3A_54 : i32
      "tpu.region"() ({
        %run_scoped3A_56 = tpu.sem_alloc : memref<!tpu.dma_semaphore, #tpu.memory_space<semaphore_mem>>
        %dma_start3A_57 = arith.constant 0 : i32
        %dma_start3A_58 = tpu.memref_slice %arg9[%add3A_55, %dma_start3A_57] : memref<81x128xi32, #tpu.memory_space<vmem>> -> memref<1x128xi32, #tpu.memory_space<vmem>>
        %dma_start3A_59 = tpu.memref_squeeze %dma_start3A_58 : memref<1x128xi32, #tpu.memory_space<vmem>> -> memref<128xi32, #tpu.memory_space<vmem>>
        %dma_start3A_60 = arith.constant 0 : i32
        %dma_start3A_61 = arith.constant 0 : i32
        %dma_start3A_62 = tpu.memref_slice %arg7[%dma_start3A_60, %dma_start3A_61] : memref<10240x64xf32, #tpu.memory_space<vmem_shared>> -> memref<10240x64xf32, #tpu.memory_space<vmem_shared>>
        tpu.enqueue_indirect_dma source(%arg11 : memref<128x64xf32, #tpu.memory_space<vmem>>) target(%dma_start3A_62 : memref<10240x64xf32, #tpu.memory_space<vmem_shared>>) offsets(%dma_start3A_59 : memref<128xi32, #tpu.memory_space<vmem>>) semaphore(%run_scoped3A_56 : memref<!tpu.dma_semaphore, #tpu.memory_space<semaphore_mem>>) {add = true}
        %dma_wait3A_63 = arith.constant 0 : i32
        %dma_wait3A_64 = tpu.memref_slice %arg9[%add3A_55, %dma_wait3A_63] : memref<81x128xi32, #tpu.memory_space<vmem>> -> memref<1x128xi32, #tpu.memory_space<vmem>>
        %dma_wait3A_65 = tpu.memref_squeeze %dma_wait3A_64 : memref<1x128xi32, #tpu.memory_space<vmem>> -> memref<128xi32, #tpu.memory_space<vmem>>
        %dma_wait3A_66 = arith.constant 0 : i32
        %dma_wait3A_67 = arith.constant 0 : i32
        %dma_wait3A_68 = tpu.memref_slice %arg7[%dma_wait3A_66, %dma_wait3A_67] : memref<10240x64xf32, #tpu.memory_space<vmem_shared>> -> memref<10240x64xf32, #tpu.memory_space<vmem_shared>>
        tpu.wait_indirect_dma semaphore(%run_scoped3A_56 : memref<!tpu.dma_semaphore, #tpu.memory_space<semaphore_mem>>) src(%arg11 : memref<128x64xf32, #tpu.memory_space<vmem>>) dst(%dma_wait3A_68 : memref<10240x64xf32, #tpu.memory_space<vmem_shared>>)
        tpu.yield
      }) : () -> ()
    }
    %scan3A_13 = arith.constant 40 : i32
    %dma_wait3A = arith.constant 80 : i32
    %dma_wait3A_14 = arith.constant 0 : i32
    %dma_wait3A_15 = tpu.memref_slice %arg8[%dma_wait3A, %dma_wait3A_14] : memref<81x128xi32, #tpu.memory_space<vmem>> -> memref<1x128xi32, #tpu.memory_space<vmem>>
    %dma_wait3A_16 = tpu.memref_squeeze %dma_wait3A_15 : memref<1x128xi32, #tpu.memory_space<vmem>> -> memref<128xi32, #tpu.memory_space<vmem>>
    %dma_wait3A_17 = arith.constant 0 : i32
    %dma_wait3A_18 = arith.constant 0 : i32
    %dma_wait3A_19 = tpu.memref_slice %arg2[%dma_wait3A_17, %dma_wait3A_18] : memref<10240x64xf32, #tpu.memory_space<hbm>> -> memref<10240x64xf32, #tpu.memory_space<hbm>>
    tpu.wait_indirect_dma semaphore(%arg12 : memref<!tpu.dma_semaphore, #tpu.memory_space<semaphore_mem>>) src(%dma_wait3A_19 : memref<10240x64xf32, #tpu.memory_space<hbm>>) dst(%arg10 : memref<128x64xf32, #tpu.memory_space<vmem>>)
    %run_scoped3A = arith.constant 80 : i32
    "tpu.region"() ({
      %run_scoped3A_21 = tpu.sem_alloc : memref<!tpu.dma_semaphore, #tpu.memory_space<semaphore_mem>>
      %dma_start3A_22 = arith.constant 0 : i32
      %dma_start3A_23 = tpu.memref_slice %arg9[%run_scoped3A, %dma_start3A_22] : memref<81x128xi32, #tpu.memory_space<vmem>> -> memref<1x128xi32, #tpu.memory_space<vmem>>
      %dma_start3A_24 = tpu.memref_squeeze %dma_start3A_23 : memref<1x128xi32, #tpu.memory_space<vmem>> -> memref<128xi32, #tpu.memory_space<vmem>>
      %dma_start3A_25 = arith.constant 0 : i32
      %dma_start3A_26 = arith.constant 0 : i32
      %dma_start3A_27 = tpu.memref_slice %arg7[%dma_start3A_25, %dma_start3A_26] : memref<10240x64xf32, #tpu.memory_space<vmem_shared>> -> memref<10240x64xf32, #tpu.memory_space<vmem_shared>>
      tpu.enqueue_indirect_dma source(%arg10 : memref<128x64xf32, #tpu.memory_space<vmem>>) target(%dma_start3A_27 : memref<10240x64xf32, #tpu.memory_space<vmem_shared>>) offsets(%dma_start3A_24 : memref<128xi32, #tpu.memory_space<vmem>>) semaphore(%run_scoped3A_21 : memref<!tpu.dma_semaphore, #tpu.memory_space<semaphore_mem>>) {add = true}
      %dma_wait3A_28 = arith.constant 0 : i32
      %dma_wait3A_29 = tpu.memref_slice %arg9[%run_scoped3A, %dma_wait3A_28] : memref<81x128xi32, #tpu.memory_space<vmem>> -> memref<1x128xi32, #tpu.memory_space<vmem>>
      %dma_wait3A_30 = tpu.memref_squeeze %dma_wait3A_29 : memref<1x128xi32, #tpu.memory_space<vmem>> -> memref<128xi32, #tpu.memory_space<vmem>>
      %dma_wait3A_31 = arith.constant 0 : i32
      %dma_wait3A_32 = arith.constant 0 : i32
      %dma_wait3A_33 = tpu.memref_slice %arg7[%dma_wait3A_31, %dma_wait3A_32] : memref<10240x64xf32, #tpu.memory_space<vmem_shared>> -> memref<10240x64xf32, #tpu.memory_space<vmem_shared>>
      tpu.wait_indirect_dma semaphore(%run_scoped3A_21 : memref<!tpu.dma_semaphore, #tpu.memory_space<semaphore_mem>>) src(%arg10 : memref<128x64xf32, #tpu.memory_space<vmem>>) dst(%dma_wait3A_33 : memref<10240x64xf32, #tpu.memory_space<vmem_shared>>)
      tpu.yield
    }) : () -> ()
    %barrier3A_20 = arith.constant 0 : index
    tpu.barrier barrier_id(%barrier3A_20)
    "tpu.region"() ({
      %run_scoped3A_21 = tpu.sem_alloc : memref<!tpu.dma_semaphore, #tpu.memory_space<semaphore_mem>>
      %dma_start3A_22 = arith.constant 0 : i32
      %dma_start3A_23 = tpu.memref_slice %arg6[%arg0, %mul3A_2, %dma_start3A_22] : memref<2x10240x64xf32, #tpu.memory_space<hbm>> -> memref<1x640x64xf32, #tpu.memory_space<hbm>>
      %dma_start3A_24 = tpu.memref_squeeze %dma_start3A_23 : memref<1x640x64xf32, #tpu.memory_space<hbm>> -> memref<640x64xf32, #tpu.memory_space<hbm>>
      %dma_start3A_25 = arith.constant 0 : i32
      %dma_start3A_26 = tpu.memref_slice %arg7[%mul3A_2, %dma_start3A_25] : memref<10240x64xf32, #tpu.memory_space<vmem_shared>> -> memref<640x64xf32, #tpu.memory_space<vmem_shared>>
      tpu.enqueue_dma source(%dma_start3A_26 : memref<640x64xf32, #tpu.memory_space<vmem_shared>>) target(%dma_start3A_24 : memref<640x64xf32, #tpu.memory_space<hbm>>) target_semaphore(%run_scoped3A_21 : memref<!tpu.dma_semaphore, #tpu.memory_space<semaphore_mem>>)
      %dma_wait3A_27 = arith.constant 0 : i32
      %dma_wait3A_28 = tpu.memref_slice %arg6[%arg0, %mul3A_2, %dma_wait3A_27] : memref<2x10240x64xf32, #tpu.memory_space<hbm>> -> memref<1x640x64xf32, #tpu.memory_space<hbm>>
      %dma_wait3A_29 = tpu.memref_squeeze %dma_wait3A_28 : memref<1x640x64xf32, #tpu.memory_space<hbm>> -> memref<640x64xf32, #tpu.memory_space<hbm>>
      %dma_wait3A_30 = arith.constant 0 : i32
      %dma_wait3A_31 = tpu.memref_slice %arg7[%mul3A_2, %dma_wait3A_30] : memref<10240x64xf32, #tpu.memory_space<vmem_shared>> -> memref<640x64xf32, #tpu.memory_space<vmem_shared>>
      tpu.wait_dma2 semaphore(%run_scoped3A_21 : memref<!tpu.dma_semaphore, #tpu.memory_space<semaphore_mem>>) src(%dma_wait3A_31 : memref<640x64xf32, #tpu.memory_space<vmem_shared>>) dst(%dma_wait3A_29 : memref<640x64xf32, #tpu.memory_space<hbm>>)
      tpu.yield
    }) : () -> ()
    return
  }
}

#map = affine_map<(d0, d1) -> (0, 0)>
#map1 = affine_map<(d0, d1) -> (0, 0, 0)>
module attributes {stable_mosaic.version = 14 : i64} {
  func.func @body(%arg0: i32, %arg1: i32, %arg2: memref<10240x128xf32, #tpu.memory_space<hbm>>, %arg3: memref<32x81x128xi16, #tpu.memory_space<hbm>>, %arg4: memref<32x81x128xi32, #tpu.memory_space<hbm>>, %arg5: memref<10240x128xf32, #tpu.memory_space<hbm>>, %arg6: memref<2x10240x128xf32, #tpu.memory_space<hbm>>, %arg7: memref<10240x128xf32, #tpu.memory_space<vmem_shared>>, %arg8: memref<81x128xi16, #tpu.memory_space<vmem>>, %arg9: memref<81x128xi32, #tpu.memory_space<vmem>>, %arg10: memref<128x128xf32, #tpu.memory_space<vmem>>, %arg11: memref<128x128xf32, #tpu.memory_space<vmem>>, %arg12: memref<128xi32, #tpu.memory_space<vmem>>, %arg13: memref<128xi32, #tpu.memory_space<vmem>>, %arg14: memref<!tpu.dma_semaphore, #tpu.memory_space<semaphore_mem>>, %arg15: memref<!tpu.dma_semaphore, #tpu.memory_space<semaphore_mem>>) attributes {dimension_semantics = [#tpu.dimension_semantics<core_parallel>, #tpu.dimension_semantics<subcore_parallel>], iteration_bounds = array<i64: 2, 16>, scalar_prefetch = 0 : i64, scratch_operands = 9 : i64, tpu.core_type = #tpu.core_type<sc_vector_subcore>, window_params = [{transform_indices = #map}, {transform_indices = #map1}, {transform_indices = #map1}, {transform_indices = #map}, {transform_indices = #map1}]} {
    %mul3A = arith.constant 16 : i32
    %mul3A_0 = arith.muli %arg0, %mul3A : i32
    %add3A = arith.addi %mul3A_0, %arg1 : i32
    %mul3A_1 = arith.constant 640 : i32
    %mul3A_2 = arith.muli %arg1, %mul3A_1 : i32
    "tpu.region"() ({
      %run_scoped3A_200 = tpu.sem_alloc : memref<!tpu.dma_semaphore, #tpu.memory_space<semaphore_mem>>
      %dma_start3A_201 = arith.constant 0 : i32
      %dma_start3A_202 = tpu.memref_slice %arg7[%mul3A_2, %dma_start3A_201] : memref<10240x128xf32, #tpu.memory_space<vmem_shared>> -> memref<640x128xf32, #tpu.memory_space<vmem_shared>>
      %dma_start3A_203 = arith.constant 0 : i32
      %dma_start3A_204 = tpu.memref_slice %arg5[%mul3A_2, %dma_start3A_203] : memref<10240x128xf32, #tpu.memory_space<hbm>> -> memref<640x128xf32, #tpu.memory_space<hbm>>
      tpu.enqueue_dma source(%dma_start3A_204 : memref<640x128xf32, #tpu.memory_space<hbm>>) target(%dma_start3A_202 : memref<640x128xf32, #tpu.memory_space<vmem_shared>>) target_semaphore(%run_scoped3A_200 : memref<!tpu.dma_semaphore, #tpu.memory_space<semaphore_mem>>)
      %dma_wait3A_205 = arith.constant 0 : i32
      %dma_wait3A_206 = tpu.memref_slice %arg7[%mul3A_2, %dma_wait3A_205] : memref<10240x128xf32, #tpu.memory_space<vmem_shared>> -> memref<640x128xf32, #tpu.memory_space<vmem_shared>>
      %dma_wait3A_207 = arith.constant 0 : i32
      %dma_wait3A_208 = tpu.memref_slice %arg5[%mul3A_2, %dma_wait3A_207] : memref<10240x128xf32, #tpu.memory_space<hbm>> -> memref<640x128xf32, #tpu.memory_space<hbm>>
      tpu.wait_dma2 semaphore(%run_scoped3A_200 : memref<!tpu.dma_semaphore, #tpu.memory_space<semaphore_mem>>) src(%dma_wait3A_208 : memref<640x128xf32, #tpu.memory_space<hbm>>) dst(%dma_wait3A_206 : memref<640x128xf32, #tpu.memory_space<vmem_shared>>)
      tpu.yield
    }) : () -> ()
    "tpu.region"() ({
      %run_scoped3A_200 = tpu.sem_alloc : memref<!tpu.dma_semaphore, #tpu.memory_space<semaphore_mem>>
      %dma_start3A_201 = arith.constant 0 : i32
      %dma_start3A_202 = arith.constant 0 : i32
      %dma_start3A_203 = tpu.memref_slice %arg3[%add3A, %dma_start3A_201, %dma_start3A_202] : memref<32x81x128xi16, #tpu.memory_space<hbm>> -> memref<1x81x128xi16, #tpu.memory_space<hbm>>
      %dma_start3A_204 = tpu.memref_squeeze %dma_start3A_203 : memref<1x81x128xi16, #tpu.memory_space<hbm>> -> memref<81x128xi16, #tpu.memory_space<hbm>>
      %dma_start3A_205 = arith.constant 0 : i32
      %dma_start3A_206 = arith.constant 0 : i32
      %dma_start3A_207 = tpu.memref_slice %arg3[%add3A, %dma_start3A_205, %dma_start3A_206] : memref<32x81x128xi16, #tpu.memory_space<hbm>> -> memref<1x81x128xi16, #tpu.memory_space<hbm>>
      %dma_start3A_208 = tpu.memref_squeeze %dma_start3A_207 : memref<1x81x128xi16, #tpu.memory_space<hbm>> -> memref<81x128xi16, #tpu.memory_space<hbm>>
      tpu.enqueue_dma source(%dma_start3A_208 : memref<81x128xi16, #tpu.memory_space<hbm>>) target(%arg8 : memref<81x128xi16, #tpu.memory_space<vmem>>) target_semaphore(%run_scoped3A_200 : memref<!tpu.dma_semaphore, #tpu.memory_space<semaphore_mem>>)
      %dma_wait3A_209 = arith.constant 0 : i32
      %dma_wait3A_210 = arith.constant 0 : i32
      %dma_wait3A_211 = tpu.memref_slice %arg3[%add3A, %dma_wait3A_209, %dma_wait3A_210] : memref<32x81x128xi16, #tpu.memory_space<hbm>> -> memref<1x81x128xi16, #tpu.memory_space<hbm>>
      %dma_wait3A_212 = tpu.memref_squeeze %dma_wait3A_211 : memref<1x81x128xi16, #tpu.memory_space<hbm>> -> memref<81x128xi16, #tpu.memory_space<hbm>>
      %dma_wait3A_213 = arith.constant 0 : i32
      %dma_wait3A_214 = arith.constant 0 : i32
      %dma_wait3A_215 = tpu.memref_slice %arg3[%add3A, %dma_wait3A_213, %dma_wait3A_214] : memref<32x81x128xi16, #tpu.memory_space<hbm>> -> memref<1x81x128xi16, #tpu.memory_space<hbm>>
      %dma_wait3A_216 = tpu.memref_squeeze %dma_wait3A_215 : memref<1x81x128xi16, #tpu.memory_space<hbm>> -> memref<81x128xi16, #tpu.memory_space<hbm>>
      tpu.wait_dma2 semaphore(%run_scoped3A_200 : memref<!tpu.dma_semaphore, #tpu.memory_space<semaphore_mem>>) src(%dma_wait3A_216 : memref<81x128xi16, #tpu.memory_space<hbm>>) dst(%arg8 : memref<81x128xi16, #tpu.memory_space<vmem>>)
      tpu.yield
    }) : () -> ()
    "tpu.region"() ({
      %run_scoped3A_200 = tpu.sem_alloc : memref<!tpu.dma_semaphore, #tpu.memory_space<semaphore_mem>>
      %dma_start3A_201 = arith.constant 0 : i32
      %dma_start3A_202 = arith.constant 0 : i32
      %dma_start3A_203 = tpu.memref_slice %arg4[%add3A, %dma_start3A_201, %dma_start3A_202] : memref<32x81x128xi32, #tpu.memory_space<hbm>> -> memref<1x81x128xi32, #tpu.memory_space<hbm>>
      %dma_start3A_204 = tpu.memref_squeeze %dma_start3A_203 : memref<1x81x128xi32, #tpu.memory_space<hbm>> -> memref<81x128xi32, #tpu.memory_space<hbm>>
      %dma_start3A_205 = arith.constant 0 : i32
      %dma_start3A_206 = arith.constant 0 : i32
      %dma_start3A_207 = tpu.memref_slice %arg4[%add3A, %dma_start3A_205, %dma_start3A_206] : memref<32x81x128xi32, #tpu.memory_space<hbm>> -> memref<1x81x128xi32, #tpu.memory_space<hbm>>
      %dma_start3A_208 = tpu.memref_squeeze %dma_start3A_207 : memref<1x81x128xi32, #tpu.memory_space<hbm>> -> memref<81x128xi32, #tpu.memory_space<hbm>>
      tpu.enqueue_dma source(%dma_start3A_208 : memref<81x128xi32, #tpu.memory_space<hbm>>) target(%arg9 : memref<81x128xi32, #tpu.memory_space<vmem>>) target_semaphore(%run_scoped3A_200 : memref<!tpu.dma_semaphore, #tpu.memory_space<semaphore_mem>>)
      %dma_wait3A_209 = arith.constant 0 : i32
      %dma_wait3A_210 = arith.constant 0 : i32
      %dma_wait3A_211 = tpu.memref_slice %arg4[%add3A, %dma_wait3A_209, %dma_wait3A_210] : memref<32x81x128xi32, #tpu.memory_space<hbm>> -> memref<1x81x128xi32, #tpu.memory_space<hbm>>
      %dma_wait3A_212 = tpu.memref_squeeze %dma_wait3A_211 : memref<1x81x128xi32, #tpu.memory_space<hbm>> -> memref<81x128xi32, #tpu.memory_space<hbm>>
      %dma_wait3A_213 = arith.constant 0 : i32
      %dma_wait3A_214 = arith.constant 0 : i32
      %dma_wait3A_215 = tpu.memref_slice %arg4[%add3A, %dma_wait3A_213, %dma_wait3A_214] : memref<32x81x128xi32, #tpu.memory_space<hbm>> -> memref<1x81x128xi32, #tpu.memory_space<hbm>>
      %dma_wait3A_216 = tpu.memref_squeeze %dma_wait3A_215 : memref<1x81x128xi32, #tpu.memory_space<hbm>> -> memref<81x128xi32, #tpu.memory_space<hbm>>
      tpu.wait_dma2 semaphore(%run_scoped3A_200 : memref<!tpu.dma_semaphore, #tpu.memory_space<semaphore_mem>>) src(%dma_wait3A_216 : memref<81x128xi32, #tpu.memory_space<hbm>>) dst(%arg9 : memref<81x128xi32, #tpu.memory_space<vmem>>)
      tpu.yield
    }) : () -> ()
    %barrier3A = arith.constant 0 : index
    tpu.barrier barrier_id(%barrier3A)
    %iota3A = tpu.iota {dimensions = array<i32: 0>} : vector<16xi32>
    %mul3A_3 = arith.constant 2 : i32
    %mul3A_4 = vector.broadcast %mul3A_3 : i32 to vector<16xi32>
    %mul3A_5 = arith.muli %iota3A, %mul3A_4 : vector<16xi32>
    %get3A = arith.constant 0 : i32
    %get3A_6 = arith.index_cast %get3A : i32 to index
    %get3A_7 = arith.constant 0 : index
    %get3A_8 = tpu.vector_load %arg8[%get3A_6, %get3A_7] {strides = array<i32>} : memref<81x128xi16, #tpu.memory_space<vmem>>, vector<32xi16>,
    %bitcast3A = vector.bitcast %get3A_8 : vector<32xi16> to vector<16xi32>
    %and3A = arith.constant 65535 : i32
    %and3A_9 = vector.broadcast %and3A : i32 to vector<16xi32>
    %and3A_10 = arith.andi %bitcast3A, %and3A_9 : vector<16xi32>
    %shift_right_logical3A = arith.constant 16 : i32
    %shift_right_logical3A_11 = vector.broadcast %shift_right_logical3A : i32 to vector<16xi32>
    %shift_right_logical3A_12 = arith.shrui %bitcast3A, %shift_right_logical3A_11 : vector<16xi32>
    %and3A_13 = arith.constant 65535 : i32
    %and3A_14 = vector.broadcast %and3A_13 : i32 to vector<16xi32>
    %and3A_15 = arith.andi %shift_right_logical3A_12, %and3A_14 : vector<16xi32>
    %add3A_16 = arith.constant 0 : i32
    %add3A_17 = vector.broadcast %add3A_16 : i32 to vector<16xi32>
    %add3A_18 = arith.addi %mul3A_5, %add3A_17 : vector<16xi32>
    tpu.vector_store_idx %arg12[%add3A_18], %and3A_10 : memref<128xi32, #tpu.memory_space<vmem>>[vector<16xi32>], vector<16xi32>,
    %add3A_19 = arith.constant 0 : i32
    %add3A_20 = vector.broadcast %add3A_19 : i32 to vector<16xi32>
    %add3A_21 = arith.addi %mul3A_5, %add3A_20 : vector<16xi32>
    %add3A_22 = arith.constant 1 : i32
    %add3A_23 = vector.broadcast %add3A_22 : i32 to vector<16xi32>
    %add3A_24 = arith.addi %add3A_21, %add3A_23 : vector<16xi32>
    tpu.vector_store_idx %arg12[%add3A_24], %and3A_15 : memref<128xi32, #tpu.memory_space<vmem>>[vector<16xi32>], vector<16xi32>,
    %get3A_25 = arith.constant 0 : i32
    %get3A_26 = arith.index_cast %get3A_25 : i32 to index
    %get3A_27 = arith.constant 32 : index
    %get3A_28 = tpu.vector_load %arg8[%get3A_26, %get3A_27] {strides = array<i32>} : memref<81x128xi16, #tpu.memory_space<vmem>>, vector<32xi16>,
    %bitcast3A_29 = vector.bitcast %get3A_28 : vector<32xi16> to vector<16xi32>
    %and3A_30 = arith.constant 65535 : i32
    %and3A_31 = vector.broadcast %and3A_30 : i32 to vector<16xi32>
    %and3A_32 = arith.andi %bitcast3A_29, %and3A_31 : vector<16xi32>
    %shift_right_logical3A_33 = arith.constant 16 : i32
    %shift_right_logical3A_34 = vector.broadcast %shift_right_logical3A_33 : i32 to vector<16xi32>
    %shift_right_logical3A_35 = arith.shrui %bitcast3A_29, %shift_right_logical3A_34 : vector<16xi32>
    %and3A_36 = arith.constant 65535 : i32
    %and3A_37 = vector.broadcast %and3A_36 : i32 to vector<16xi32>
    %and3A_38 = arith.andi %shift_right_logical3A_35, %and3A_37 : vector<16xi32>
    %add3A_39 = arith.constant 32 : i32
    %add3A_40 = vector.broadcast %add3A_39 : i32 to vector<16xi32>
    %add3A_41 = arith.addi %mul3A_5, %add3A_40 : vector<16xi32>
    tpu.vector_store_idx %arg12[%add3A_41], %and3A_32 : memref<128xi32, #tpu.memory_space<vmem>>[vector<16xi32>], vector<16xi32>,
    %add3A_42 = arith.constant 32 : i32
    %add3A_43 = vector.broadcast %add3A_42 : i32 to vector<16xi32>
    %add3A_44 = arith.addi %mul3A_5, %add3A_43 : vector<16xi32>
    %add3A_45 = arith.constant 1 : i32
    %add3A_46 = vector.broadcast %add3A_45 : i32 to vector<16xi32>
    %add3A_47 = arith.addi %add3A_44, %add3A_46 : vector<16xi32>
    tpu.vector_store_idx %arg12[%add3A_47], %and3A_38 : memref<128xi32, #tpu.memory_space<vmem>>[vector<16xi32>], vector<16xi32>,
    %get3A_48 = arith.constant 0 : i32
    %get3A_49 = arith.index_cast %get3A_48 : i32 to index
    %get3A_50 = arith.constant 64 : index
    %get3A_51 = tpu.vector_load %arg8[%get3A_49, %get3A_50] {strides = array<i32>} : memref<81x128xi16, #tpu.memory_space<vmem>>, vector<32xi16>,
    %bitcast3A_52 = vector.bitcast %get3A_51 : vector<32xi16> to vector<16xi32>
    %and3A_53 = arith.constant 65535 : i32
    %and3A_54 = vector.broadcast %and3A_53 : i32 to vector<16xi32>
    %and3A_55 = arith.andi %bitcast3A_52, %and3A_54 : vector<16xi32>
    %shift_right_logical3A_56 = arith.constant 16 : i32
    %shift_right_logical3A_57 = vector.broadcast %shift_right_logical3A_56 : i32 to vector<16xi32>
    %shift_right_logical3A_58 = arith.shrui %bitcast3A_52, %shift_right_logical3A_57 : vector<16xi32>
    %and3A_59 = arith.constant 65535 : i32
    %and3A_60 = vector.broadcast %and3A_59 : i32 to vector<16xi32>
    %and3A_61 = arith.andi %shift_right_logical3A_58, %and3A_60 : vector<16xi32>
    %add3A_62 = arith.constant 64 : i32
    %add3A_63 = vector.broadcast %add3A_62 : i32 to vector<16xi32>
    %add3A_64 = arith.addi %mul3A_5, %add3A_63 : vector<16xi32>
    tpu.vector_store_idx %arg12[%add3A_64], %and3A_55 : memref<128xi32, #tpu.memory_space<vmem>>[vector<16xi32>], vector<16xi32>,
    %add3A_65 = arith.constant 64 : i32
    %add3A_66 = vector.broadcast %add3A_65 : i32 to vector<16xi32>
    %add3A_67 = arith.addi %mul3A_5, %add3A_66 : vector<16xi32>
    %add3A_68 = arith.constant 1 : i32
    %add3A_69 = vector.broadcast %add3A_68 : i32 to vector<16xi32>
    %add3A_70 = arith.addi %add3A_67, %add3A_69 : vector<16xi32>
    tpu.vector_store_idx %arg12[%add3A_70], %and3A_61 : memref<128xi32, #tpu.memory_space<vmem>>[vector<16xi32>], vector<16xi32>,
    %get3A_71 = arith.constant 0 : i32
    %get3A_72 = arith.index_cast %get3A_71 : i32 to index
    %get3A_73 = arith.constant 96 : index
    %get3A_74 = tpu.vector_load %arg8[%get3A_72, %get3A_73] {strides = array<i32>} : memref<81x128xi16, #tpu.memory_space<vmem>>, vector<32xi16>,
    %bitcast3A_75 = vector.bitcast %get3A_74 : vector<32xi16> to vector<16xi32>
    %and3A_76 = arith.constant 65535 : i32
    %and3A_77 = vector.broadcast %and3A_76 : i32 to vector<16xi32>
    %and3A_78 = arith.andi %bitcast3A_75, %and3A_77 : vector<16xi32>
    %shift_right_logical3A_79 = arith.constant 16 : i32
    %shift_right_logical3A_80 = vector.broadcast %shift_right_logical3A_79 : i32 to vector<16xi32>
    %shift_right_logical3A_81 = arith.shrui %bitcast3A_75, %shift_right_logical3A_80 : vector<16xi32>
    %and3A_82 = arith.constant 65535 : i32
    %and3A_83 = vector.broadcast %and3A_82 : i32 to vector<16xi32>
    %and3A_84 = arith.andi %shift_right_logical3A_81, %and3A_83 : vector<16xi32>
    %add3A_85 = arith.constant 96 : i32
    %add3A_86 = vector.broadcast %add3A_85 : i32 to vector<16xi32>
    %add3A_87 = arith.addi %mul3A_5, %add3A_86 : vector<16xi32>
    tpu.vector_store_idx %arg12[%add3A_87], %and3A_78 : memref<128xi32, #tpu.memory_space<vmem>>[vector<16xi32>], vector<16xi32>,
    %add3A_88 = arith.constant 96 : i32
    %add3A_89 = vector.broadcast %add3A_88 : i32 to vector<16xi32>
    %add3A_90 = arith.addi %mul3A_5, %add3A_89 : vector<16xi32>
    %add3A_91 = arith.constant 1 : i32
    %add3A_92 = vector.broadcast %add3A_91 : i32 to vector<16xi32>
    %add3A_93 = arith.addi %add3A_90, %add3A_92 : vector<16xi32>
    tpu.vector_store_idx %arg12[%add3A_93], %and3A_84 : memref<128xi32, #tpu.memory_space<vmem>>[vector<16xi32>], vector<16xi32>,
    %dma_start3A = arith.constant 0 : i32
    %dma_start3A_94 = arith.constant 0 : i32
    %dma_start3A_95 = tpu.memref_slice %arg2[%dma_start3A, %dma_start3A_94] : memref<10240x128xf32, #tpu.memory_space<hbm>> -> memref<10240x128xf32, #tpu.memory_space<hbm>>
    tpu.enqueue_indirect_dma source(%dma_start3A_95 : memref<10240x128xf32, #tpu.memory_space<hbm>>) target(%arg10 : memref<128x128xf32, #tpu.memory_space<vmem>>) offsets(%arg12 : memref<128xi32, #tpu.memory_space<vmem>>) semaphore(%arg14 : memref<!tpu.dma_semaphore, #tpu.memory_space<semaphore_mem>>)
    %iota3A_96 = tpu.iota {dimensions = array<i32: 0>} : vector<16xi32>
    %mul3A_97 = arith.constant 2 : i32
    %mul3A_98 = vector.broadcast %mul3A_97 : i32 to vector<16xi32>
    %mul3A_99 = arith.muli %iota3A_96, %mul3A_98 : vector<16xi32>
    %get3A_100 = arith.constant 1 : i32
    %get3A_101 = arith.index_cast %get3A_100 : i32 to index
    %get3A_102 = arith.constant 0 : index
    %get3A_103 = tpu.vector_load %arg8[%get3A_101, %get3A_102] {strides = array<i32>} : memref<81x128xi16, #tpu.memory_space<vmem>>, vector<32xi16>,
    %bitcast3A_104 = vector.bitcast %get3A_103 : vector<32xi16> to vector<16xi32>
    %and3A_105 = arith.constant 65535 : i32
    %and3A_106 = vector.broadcast %and3A_105 : i32 to vector<16xi32>
    %and3A_107 = arith.andi %bitcast3A_104, %and3A_106 : vector<16xi32>
    %shift_right_logical3A_108 = arith.constant 16 : i32
    %shift_right_logical3A_109 = vector.broadcast %shift_right_logical3A_108 : i32 to vector<16xi32>
    %shift_right_logical3A_110 = arith.shrui %bitcast3A_104, %shift_right_logical3A_109 : vector<16xi32>
    %and3A_111 = arith.constant 65535 : i32
    %and3A_112 = vector.broadcast %and3A_111 : i32 to vector<16xi32>
    %and3A_113 = arith.andi %shift_right_logical3A_110, %and3A_112 : vector<16xi32>
    %add3A_114 = arith.constant 0 : i32
    %add3A_115 = vector.broadcast %add3A_114 : i32 to vector<16xi32>
    %add3A_116 = arith.addi %mul3A_99, %add3A_115 : vector<16xi32>
    tpu.vector_store_idx %arg13[%add3A_116], %and3A_107 : memref<128xi32, #tpu.memory_space<vmem>>[vector<16xi32>], vector<16xi32>,
    %add3A_117 = arith.constant 0 : i32
    %add3A_118 = vector.broadcast %add3A_117 : i32 to vector<16xi32>
    %add3A_119 = arith.addi %mul3A_99, %add3A_118 : vector<16xi32>
    %add3A_120 = arith.constant 1 : i32
    %add3A_121 = vector.broadcast %add3A_120 : i32 to vector<16xi32>
    %add3A_122 = arith.addi %add3A_119, %add3A_121 : vector<16xi32>
    tpu.vector_store_idx %arg13[%add3A_122], %and3A_113 : memref<128xi32, #tpu.memory_space<vmem>>[vector<16xi32>], vector<16xi32>,
    %get3A_123 = arith.constant 1 : i32
    %get3A_124 = arith.index_cast %get3A_123 : i32 to index
    %get3A_125 = arith.constant 32 : index
    %get3A_126 = tpu.vector_load %arg8[%get3A_124, %get3A_125] {strides = array<i32>} : memref<81x128xi16, #tpu.memory_space<vmem>>, vector<32xi16>,
    %bitcast3A_127 = vector.bitcast %get3A_126 : vector<32xi16> to vector<16xi32>
    %and3A_128 = arith.constant 65535 : i32
    %and3A_129 = vector.broadcast %and3A_128 : i32 to vector<16xi32>
    %and3A_130 = arith.andi %bitcast3A_127, %and3A_129 : vector<16xi32>
    %shift_right_logical3A_131 = arith.constant 16 : i32
    %shift_right_logical3A_132 = vector.broadcast %shift_right_logical3A_131 : i32 to vector<16xi32>
    %shift_right_logical3A_133 = arith.shrui %bitcast3A_127, %shift_right_logical3A_132 : vector<16xi32>
    %and3A_134 = arith.constant 65535 : i32
    %and3A_135 = vector.broadcast %and3A_134 : i32 to vector<16xi32>
    %and3A_136 = arith.andi %shift_right_logical3A_133, %and3A_135 : vector<16xi32>
    %add3A_137 = arith.constant 32 : i32
    %add3A_138 = vector.broadcast %add3A_137 : i32 to vector<16xi32>
    %add3A_139 = arith.addi %mul3A_99, %add3A_138 : vector<16xi32>
    tpu.vector_store_idx %arg13[%add3A_139], %and3A_130 : memref<128xi32, #tpu.memory_space<vmem>>[vector<16xi32>], vector<16xi32>,
    %add3A_140 = arith.constant 32 : i32
    %add3A_141 = vector.broadcast %add3A_140 : i32 to vector<16xi32>
    %add3A_142 = arith.addi %mul3A_99, %add3A_141 : vector<16xi32>
    %add3A_143 = arith.constant 1 : i32
    %add3A_144 = vector.broadcast %add3A_143 : i32 to vector<16xi32>
    %add3A_145 = arith.addi %add3A_142, %add3A_144 : vector<16xi32>
    tpu.vector_store_idx %arg13[%add3A_145], %and3A_136 : memref<128xi32, #tpu.memory_space<vmem>>[vector<16xi32>], vector<16xi32>,
    %get3A_146 = arith.constant 1 : i32
    %get3A_147 = arith.index_cast %get3A_146 : i32 to index
    %get3A_148 = arith.constant 64 : index
    %get3A_149 = tpu.vector_load %arg8[%get3A_147, %get3A_148] {strides = array<i32>} : memref<81x128xi16, #tpu.memory_space<vmem>>, vector<32xi16>,
    %bitcast3A_150 = vector.bitcast %get3A_149 : vector<32xi16> to vector<16xi32>
    %and3A_151 = arith.constant 65535 : i32
    %and3A_152 = vector.broadcast %and3A_151 : i32 to vector<16xi32>
    %and3A_153 = arith.andi %bitcast3A_150, %and3A_152 : vector<16xi32>
    %shift_right_logical3A_154 = arith.constant 16 : i32
    %shift_right_logical3A_155 = vector.broadcast %shift_right_logical3A_154 : i32 to vector<16xi32>
    %shift_right_logical3A_156 = arith.shrui %bitcast3A_150, %shift_right_logical3A_155 : vector<16xi32>
    %and3A_157 = arith.constant 65535 : i32
    %and3A_158 = vector.broadcast %and3A_157 : i32 to vector<16xi32>
    %and3A_159 = arith.andi %shift_right_logical3A_156, %and3A_158 : vector<16xi32>
    %add3A_160 = arith.constant 64 : i32
    %add3A_161 = vector.broadcast %add3A_160 : i32 to vector<16xi32>
    %add3A_162 = arith.addi %mul3A_99, %add3A_161 : vector<16xi32>
    tpu.vector_store_idx %arg13[%add3A_162], %and3A_153 : memref<128xi32, #tpu.memory_space<vmem>>[vector<16xi32>], vector<16xi32>,
    %add3A_163 = arith.constant 64 : i32
    %add3A_164 = vector.broadcast %add3A_163 : i32 to vector<16xi32>
    %add3A_165 = arith.addi %mul3A_99, %add3A_164 : vector<16xi32>
    %add3A_166 = arith.constant 1 : i32
    %add3A_167 = vector.broadcast %add3A_166 : i32 to vector<16xi32>
    %add3A_168 = arith.addi %add3A_165, %add3A_167 : vector<16xi32>
    tpu.vector_store_idx %arg13[%add3A_168], %and3A_159 : memref<128xi32, #tpu.memory_space<vmem>>[vector<16xi32>], vector<16xi32>,
    %get3A_169 = arith.constant 1 : i32
    %get3A_170 = arith.index_cast %get3A_169 : i32 to index
    %get3A_171 = arith.constant 96 : index
    %get3A_172 = tpu.vector_load %arg8[%get3A_170, %get3A_171] {strides = array<i32>} : memref<81x128xi16, #tpu.memory_space<vmem>>, vector<32xi16>,
    %bitcast3A_173 = vector.bitcast %get3A_172 : vector<32xi16> to vector<16xi32>
    %and3A_174 = arith.constant 65535 : i32
    %and3A_175 = vector.broadcast %and3A_174 : i32 to vector<16xi32>
    %and3A_176 = arith.andi %bitcast3A_173, %and3A_175 : vector<16xi32>
    %shift_right_logical3A_177 = arith.constant 16 : i32
    %shift_right_logical3A_178 = vector.broadcast %shift_right_logical3A_177 : i32 to vector<16xi32>
    %shift_right_logical3A_179 = arith.shrui %bitcast3A_173, %shift_right_logical3A_178 : vector<16xi32>
    %and3A_180 = arith.constant 65535 : i32
    %and3A_181 = vector.broadcast %and3A_180 : i32 to vector<16xi32>
    %and3A_182 = arith.andi %shift_right_logical3A_179, %and3A_181 : vector<16xi32>
    %add3A_183 = arith.constant 96 : i32
    %add3A_184 = vector.broadcast %add3A_183 : i32 to vector<16xi32>
    %add3A_185 = arith.addi %mul3A_99, %add3A_184 : vector<16xi32>
    tpu.vector_store_idx %arg13[%add3A_185], %and3A_176 : memref<128xi32, #tpu.memory_space<vmem>>[vector<16xi32>], vector<16xi32>,
    %add3A_186 = arith.constant 96 : i32
    %add3A_187 = vector.broadcast %add3A_186 : i32 to vector<16xi32>
    %add3A_188 = arith.addi %mul3A_99, %add3A_187 : vector<16xi32>
    %add3A_189 = arith.constant 1 : i32
    %add3A_190 = vector.broadcast %add3A_189 : i32 to vector<16xi32>
    %add3A_191 = arith.addi %add3A_188, %add3A_190 : vector<16xi32>
    tpu.vector_store_idx %arg13[%add3A_191], %and3A_182 : memref<128xi32, #tpu.memory_space<vmem>>[vector<16xi32>], vector<16xi32>,
    %scan3A = arith.constant 0 : i32
    %scan3A_192 = arith.constant 0 : i32
    %scan3A_193 = arith.constant 40 : i32
    %scan3A_194 = arith.addi %scan3A_192, %scan3A_193 : i32
    %scan3A_195 = arith.constant 1 : i32
    scf.for %scan3A_200 = %scan3A_192 to %scan3A_194 step %scan3A_195  : i32 {
      %mul3A_201 = arith.constant 2 : i32
      %mul3A_202 = arith.muli %mul3A_201, %scan3A_200 : i32
      %dma_wait3A_203 = arith.constant 0 : i32
      %dma_wait3A_204 = arith.constant 0 : i32
      %dma_wait3A_205 = tpu.memref_slice %arg2[%dma_wait3A_203, %dma_wait3A_204] : memref<10240x128xf32, #tpu.memory_space<hbm>> -> memref<10240x128xf32, #tpu.memory_space<hbm>>
      tpu.wait_indirect_dma semaphore(%arg14 : memref<!tpu.dma_semaphore, #tpu.memory_space<semaphore_mem>>) src(%dma_wait3A_205 : memref<10240x128xf32, #tpu.memory_space<hbm>>) dst(%arg10 : memref<128x128xf32, #tpu.memory_space<vmem>>)
      %dma_start3A_206 = arith.constant 0 : i32
      %dma_start3A_207 = arith.constant 0 : i32
      %dma_start3A_208 = tpu.memref_slice %arg2[%dma_start3A_206, %dma_start3A_207] : memref<10240x128xf32, #tpu.memory_space<hbm>> -> memref<10240x128xf32, #tpu.memory_space<hbm>>
      tpu.enqueue_indirect_dma source(%dma_start3A_208 : memref<10240x128xf32, #tpu.memory_space<hbm>>) target(%arg11 : memref<128x128xf32, #tpu.memory_space<vmem>>) offsets(%arg13 : memref<128xi32, #tpu.memory_space<vmem>>) semaphore(%arg15 : memref<!tpu.dma_semaphore, #tpu.memory_space<semaphore_mem>>)
      "tpu.region"() ({
        %run_scoped3A_315 = tpu.sem_alloc : memref<!tpu.dma_semaphore, #tpu.memory_space<semaphore_mem>>
        %dma_start3A_316 = arith.constant 0 : i32
        %dma_start3A_317 = tpu.memref_slice %arg9[%mul3A_202, %dma_start3A_316] : memref<81x128xi32, #tpu.memory_space<vmem>> -> memref<1x128xi32, #tpu.memory_space<vmem>>
        %dma_start3A_318 = tpu.memref_squeeze %dma_start3A_317 : memref<1x128xi32, #tpu.memory_space<vmem>> -> memref<128xi32, #tpu.memory_space<vmem>>
        %dma_start3A_319 = arith.constant 0 : i32
        %dma_start3A_320 = arith.constant 0 : i32
        %dma_start3A_321 = tpu.memref_slice %arg7[%dma_start3A_319, %dma_start3A_320] : memref<10240x128xf32, #tpu.memory_space<vmem_shared>> -> memref<10240x128xf32, #tpu.memory_space<vmem_shared>>
        tpu.enqueue_indirect_dma source(%arg10 : memref<128x128xf32, #tpu.memory_space<vmem>>) target(%dma_start3A_321 : memref<10240x128xf32, #tpu.memory_space<vmem_shared>>) offsets(%dma_start3A_318 : memref<128xi32, #tpu.memory_space<vmem>>) semaphore(%run_scoped3A_315 : memref<!tpu.dma_semaphore, #tpu.memory_space<semaphore_mem>>) {add = true}
        %dma_wait3A_322 = arith.constant 0 : i32
        %dma_wait3A_323 = tpu.memref_slice %arg9[%mul3A_202, %dma_wait3A_322] : memref<81x128xi32, #tpu.memory_space<vmem>> -> memref<1x128xi32, #tpu.memory_space<vmem>>
        %dma_wait3A_324 = tpu.memref_squeeze %dma_wait3A_323 : memref<1x128xi32, #tpu.memory_space<vmem>> -> memref<128xi32, #tpu.memory_space<vmem>>
        %dma_wait3A_325 = arith.constant 0 : i32
        %dma_wait3A_326 = arith.constant 0 : i32
        %dma_wait3A_327 = tpu.memref_slice %arg7[%dma_wait3A_325, %dma_wait3A_326] : memref<10240x128xf32, #tpu.memory_space<vmem_shared>> -> memref<10240x128xf32, #tpu.memory_space<vmem_shared>>
        tpu.wait_indirect_dma semaphore(%run_scoped3A_315 : memref<!tpu.dma_semaphore, #tpu.memory_space<semaphore_mem>>) src(%arg10 : memref<128x128xf32, #tpu.memory_space<vmem>>) dst(%dma_wait3A_327 : memref<10240x128xf32, #tpu.memory_space<vmem_shared>>)
        tpu.yield
      }) : () -> ()
      %add3A_209 = arith.constant 2 : i32
      %add3A_210 = arith.addi %mul3A_202, %add3A_209 : i32
      %iota3A_211 = tpu.iota {dimensions = array<i32: 0>} : vector<16xi32>
      %mul3A_212 = arith.constant 2 : i32
      %mul3A_213 = vector.broadcast %mul3A_212 : i32 to vector<16xi32>
      %mul3A_214 = arith.muli %iota3A_211, %mul3A_213 : vector<16xi32>
      %get3A_215 = arith.index_cast %add3A_210 : i32 to index
      %get3A_216 = arith.constant 0 : index
      %get3A_217 = tpu.vector_load %arg8[%get3A_215, %get3A_216] {strides = array<i32>} : memref<81x128xi16, #tpu.memory_space<vmem>>, vector<32xi16>,
      %bitcast3A_218 = vector.bitcast %get3A_217 : vector<32xi16> to vector<16xi32>
      %and3A_219 = arith.constant 65535 : i32
      %and3A_220 = vector.broadcast %and3A_219 : i32 to vector<16xi32>
      %and3A_221 = arith.andi %bitcast3A_218, %and3A_220 : vector<16xi32>
      %shift_right_logical3A_222 = arith.constant 16 : i32
      %shift_right_logical3A_223 = vector.broadcast %shift_right_logical3A_222 : i32 to vector<16xi32>
      %shift_right_logical3A_224 = arith.shrui %bitcast3A_218, %shift_right_logical3A_223 : vector<16xi32>
      %and3A_225 = arith.constant 65535 : i32
      %and3A_226 = vector.broadcast %and3A_225 : i32 to vector<16xi32>
      %and3A_227 = arith.andi %shift_right_logical3A_224, %and3A_226 : vector<16xi32>
      %add3A_228 = arith.constant 0 : i32
      %add3A_229 = vector.broadcast %add3A_228 : i32 to vector<16xi32>
      %add3A_230 = arith.addi %mul3A_214, %add3A_229 : vector<16xi32>
      tpu.vector_store_idx %arg12[%add3A_230], %and3A_221 : memref<128xi32, #tpu.memory_space<vmem>>[vector<16xi32>], vector<16xi32>,
      %add3A_231 = arith.constant 0 : i32
      %add3A_232 = vector.broadcast %add3A_231 : i32 to vector<16xi32>
      %add3A_233 = arith.addi %mul3A_214, %add3A_232 : vector<16xi32>
      %add3A_234 = arith.constant 1 : i32
      %add3A_235 = vector.broadcast %add3A_234 : i32 to vector<16xi32>
      %add3A_236 = arith.addi %add3A_233, %add3A_235 : vector<16xi32>
      tpu.vector_store_idx %arg12[%add3A_236], %and3A_227 : memref<128xi32, #tpu.memory_space<vmem>>[vector<16xi32>], vector<16xi32>,
      %get3A_237 = arith.index_cast %add3A_210 : i32 to index
      %get3A_238 = arith.constant 32 : index
      %get3A_239 = tpu.vector_load %arg8[%get3A_237, %get3A_238] {strides = array<i32>} : memref<81x128xi16, #tpu.memory_space<vmem>>, vector<32xi16>,
      %bitcast3A_240 = vector.bitcast %get3A_239 : vector<32xi16> to vector<16xi32>
      %and3A_241 = arith.constant 65535 : i32
      %and3A_242 = vector.broadcast %and3A_241 : i32 to vector<16xi32>
      %and3A_243 = arith.andi %bitcast3A_240, %and3A_242 : vector<16xi32>
      %shift_right_logical3A_244 = arith.constant 16 : i32
      %shift_right_logical3A_245 = vector.broadcast %shift_right_logical3A_244 : i32 to vector<16xi32>
      %shift_right_logical3A_246 = arith.shrui %bitcast3A_240, %shift_right_logical3A_245 : vector<16xi32>
      %and3A_247 = arith.constant 65535 : i32
      %and3A_248 = vector.broadcast %and3A_247 : i32 to vector<16xi32>
      %and3A_249 = arith.andi %shift_right_logical3A_246, %and3A_248 : vector<16xi32>
      %add3A_250 = arith.constant 32 : i32
      %add3A_251 = vector.broadcast %add3A_250 : i32 to vector<16xi32>
      %add3A_252 = arith.addi %mul3A_214, %add3A_251 : vector<16xi32>
      tpu.vector_store_idx %arg12[%add3A_252], %and3A_243 : memref<128xi32, #tpu.memory_space<vmem>>[vector<16xi32>], vector<16xi32>,
      %add3A_253 = arith.constant 32 : i32
      %add3A_254 = vector.broadcast %add3A_253 : i32 to vector<16xi32>
      %add3A_255 = arith.addi %mul3A_214, %add3A_254 : vector<16xi32>
      %add3A_256 = arith.constant 1 : i32
      %add3A_257 = vector.broadcast %add3A_256 : i32 to vector<16xi32>
      %add3A_258 = arith.addi %add3A_255, %add3A_257 : vector<16xi32>
      tpu.vector_store_idx %arg12[%add3A_258], %and3A_249 : memref<128xi32, #tpu.memory_space<vmem>>[vector<16xi32>], vector<16xi32>,
      %get3A_259 = arith.index_cast %add3A_210 : i32 to index
      %get3A_260 = arith.constant 64 : index
      %get3A_261 = tpu.vector_load %arg8[%get3A_259, %get3A_260] {strides = array<i32>} : memref<81x128xi16, #tpu.memory_space<vmem>>, vector<32xi16>,
      %bitcast3A_262 = vector.bitcast %get3A_261 : vector<32xi16> to vector<16xi32>
      %and3A_263 = arith.constant 65535 : i32
      %and3A_264 = vector.broadcast %and3A_263 : i32 to vector<16xi32>
      %and3A_265 = arith.andi %bitcast3A_262, %and3A_264 : vector<16xi32>
      %shift_right_logical3A_266 = arith.constant 16 : i32
      %shift_right_logical3A_267 = vector.broadcast %shift_right_logical3A_266 : i32 to vector<16xi32>
      %shift_right_logical3A_268 = arith.shrui %bitcast3A_262, %shift_right_logical3A_267 : vector<16xi32>
      %and3A_269 = arith.constant 65535 : i32
      %and3A_270 = vector.broadcast %and3A_269 : i32 to vector<16xi32>
      %and3A_271 = arith.andi %shift_right_logical3A_268, %and3A_270 : vector<16xi32>
      %add3A_272 = arith.constant 64 : i32
      %add3A_273 = vector.broadcast %add3A_272 : i32 to vector<16xi32>
      %add3A_274 = arith.addi %mul3A_214, %add3A_273 : vector<16xi32>
      tpu.vector_store_idx %arg12[%add3A_274], %and3A_265 : memref<128xi32, #tpu.memory_space<vmem>>[vector<16xi32>], vector<16xi32>,
      %add3A_275 = arith.constant 64 : i32
      %add3A_276 = vector.broadcast %add3A_275 : i32 to vector<16xi32>
      %add3A_277 = arith.addi %mul3A_214, %add3A_276 : vector<16xi32>
      %add3A_278 = arith.constant 1 : i32
      %add3A_279 = vector.broadcast %add3A_278 : i32 to vector<16xi32>
      %add3A_280 = arith.addi %add3A_277, %add3A_279 : vector<16xi32>
      tpu.vector_store_idx %arg12[%add3A_280], %and3A_271 : memref<128xi32, #tpu.memory_space<vmem>>[vector<16xi32>], vector<16xi32>,
      %get3A_281 = arith.index_cast %add3A_210 : i32 to index
      %get3A_282 = arith.constant 96 : index
      %get3A_283 = tpu.vector_load %arg8[%get3A_281, %get3A_282] {strides = array<i32>} : memref<81x128xi16, #tpu.memory_space<vmem>>, vector<32xi16>,
      %bitcast3A_284 = vector.bitcast %get3A_283 : vector<32xi16> to vector<16xi32>
      %and3A_285 = arith.constant 65535 : i32
      %and3A_286 = vector.broadcast %and3A_285 : i32 to vector<16xi32>
      %and3A_287 = arith.andi %bitcast3A_284, %and3A_286 : vector<16xi32>
      %shift_right_logical3A_288 = arith.constant 16 : i32
      %shift_right_logical3A_289 = vector.broadcast %shift_right_logical3A_288 : i32 to vector<16xi32>
      %shift_right_logical3A_290 = arith.shrui %bitcast3A_284, %shift_right_logical3A_289 : vector<16xi32>
      %and3A_291 = arith.constant 65535 : i32
      %and3A_292 = vector.broadcast %and3A_291 : i32 to vector<16xi32>
      %and3A_293 = arith.andi %shift_right_logical3A_290, %and3A_292 : vector<16xi32>
      %add3A_294 = arith.constant 96 : i32
      %add3A_295 = vector.broadcast %add3A_294 : i32 to vector<16xi32>
      %add3A_296 = arith.addi %mul3A_214, %add3A_295 : vector<16xi32>
      tpu.vector_store_idx %arg12[%add3A_296], %and3A_287 : memref<128xi32, #tpu.memory_space<vmem>>[vector<16xi32>], vector<16xi32>,
      %add3A_297 = arith.constant 96 : i32
      %add3A_298 = vector.broadcast %add3A_297 : i32 to vector<16xi32>
      %add3A_299 = arith.addi %mul3A_214, %add3A_298 : vector<16xi32>
      %add3A_300 = arith.constant 1 : i32
      %add3A_301 = vector.broadcast %add3A_300 : i32 to vector<16xi32>
      %add3A_302 = arith.addi %add3A_299, %add3A_301 : vector<16xi32>
      tpu.vector_store_idx %arg12[%add3A_302], %and3A_293 : memref<128xi32, #tpu.memory_space<vmem>>[vector<16xi32>], vector<16xi32>,
      %dma_wait3A_303 = arith.constant 0 : i32
      %dma_wait3A_304 = arith.constant 0 : i32
      %dma_wait3A_305 = tpu.memref_slice %arg2[%dma_wait3A_303, %dma_wait3A_304] : memref<10240x128xf32, #tpu.memory_space<hbm>> -> memref<10240x128xf32, #tpu.memory_space<hbm>>
      tpu.wait_indirect_dma semaphore(%arg15 : memref<!tpu.dma_semaphore, #tpu.memory_space<semaphore_mem>>) src(%dma_wait3A_305 : memref<10240x128xf32, #tpu.memory_space<hbm>>) dst(%arg11 : memref<128x128xf32, #tpu.memory_space<vmem>>)
      %dma_start3A_306 = arith.constant 0 : i32
      %dma_start3A_307 = arith.constant 0 : i32
      %dma_start3A_308 = tpu.memref_slice %arg2[%dma_start3A_306, %dma_start3A_307] : memref<10240x128xf32, #tpu.memory_space<hbm>> -> memref<10240x128xf32, #tpu.memory_space<hbm>>
      tpu.enqueue_indirect_dma source(%dma_start3A_308 : memref<10240x128xf32, #tpu.memory_space<hbm>>) target(%arg10 : memref<128x128xf32, #tpu.memory_space<vmem>>) offsets(%arg12 : memref<128xi32, #tpu.memory_space<vmem>>) semaphore(%arg14 : memref<!tpu.dma_semaphore, #tpu.memory_space<semaphore_mem>>)
      %add3A_309 = arith.constant 1 : i32
      %add3A_310 = arith.addi %mul3A_202, %add3A_309 : i32
      "tpu.region"() ({
        %run_scoped3A_315 = tpu.sem_alloc : memref<!tpu.dma_semaphore, #tpu.memory_space<semaphore_mem>>
        %dma_start3A_316 = arith.constant 0 : i32
        %dma_start3A_317 = tpu.memref_slice %arg9[%add3A_310, %dma_start3A_316] : memref<81x128xi32, #tpu.memory_space<vmem>> -> memref<1x128xi32, #tpu.memory_space<vmem>>
        %dma_start3A_318 = tpu.memref_squeeze %dma_start3A_317 : memref<1x128xi32, #tpu.memory_space<vmem>> -> memref<128xi32, #tpu.memory_space<vmem>>
        %dma_start3A_319 = arith.constant 0 : i32
        %dma_start3A_320 = arith.constant 0 : i32
        %dma_start3A_321 = tpu.memref_slice %arg7[%dma_start3A_319, %dma_start3A_320] : memref<10240x128xf32, #tpu.memory_space<vmem_shared>> -> memref<10240x128xf32, #tpu.memory_space<vmem_shared>>
        tpu.enqueue_indirect_dma source(%arg11 : memref<128x128xf32, #tpu.memory_space<vmem>>) target(%dma_start3A_321 : memref<10240x128xf32, #tpu.memory_space<vmem_shared>>) offsets(%dma_start3A_318 : memref<128xi32, #tpu.memory_space<vmem>>) semaphore(%run_scoped3A_315 : memref<!tpu.dma_semaphore, #tpu.memory_space<semaphore_mem>>) {add = true}
        %dma_wait3A_322 = arith.constant 0 : i32
        %dma_wait3A_323 = tpu.memref_slice %arg9[%add3A_310, %dma_wait3A_322] : memref<81x128xi32, #tpu.memory_space<vmem>> -> memref<1x128xi32, #tpu.memory_space<vmem>>
        %dma_wait3A_324 = tpu.memref_squeeze %dma_wait3A_323 : memref<1x128xi32, #tpu.memory_space<vmem>> -> memref<128xi32, #tpu.memory_space<vmem>>
        %dma_wait3A_325 = arith.constant 0 : i32
        %dma_wait3A_326 = arith.constant 0 : i32
        %dma_wait3A_327 = tpu.memref_slice %arg7[%dma_wait3A_325, %dma_wait3A_326] : memref<10240x128xf32, #tpu.memory_space<vmem_shared>> -> memref<10240x128xf32, #tpu.memory_space<vmem_shared>>
        tpu.wait_indirect_dma semaphore(%run_scoped3A_315 : memref<!tpu.dma_semaphore, #tpu.memory_space<semaphore_mem>>) src(%arg11 : memref<128x128xf32, #tpu.memory_space<vmem>>) dst(%dma_wait3A_327 : memref<10240x128xf32, #tpu.memory_space<vmem_shared>>)
        tpu.yield
      }) : () -> ()
      %add3A_311 = arith.constant 3 : i32
      %add3A_312 = arith.addi %mul3A_202, %add3A_311 : i32
      %lt3A = arith.constant 81 : i32
      %lt3A_313 = arith.cmpi slt, %add3A_312, %lt3A : i32
      %convert_element_type3A = arith.extui %lt3A_313 : i1 to i32
      %cond3A = arith.constant 0 : i32
      %cond3A_314 = arith.cmpi ne, %convert_element_type3A, %cond3A : i32
      scf.if %cond3A_314 {
        %add3A_315 = arith.constant 3 : i32
        %add3A_316 = arith.addi %mul3A_202, %add3A_315 : i32
        %iota3A_317 = tpu.iota {dimensions = array<i32: 0>} : vector<16xi32>
        %mul3A_318 = arith.constant 2 : i32
        %mul3A_319 = vector.broadcast %mul3A_318 : i32 to vector<16xi32>
        %mul3A_320 = arith.muli %iota3A_317, %mul3A_319 : vector<16xi32>
        %get3A_321 = arith.index_cast %add3A_316 : i32 to index
        %get3A_322 = arith.constant 0 : index
        %get3A_323 = tpu.vector_load %arg8[%get3A_321, %get3A_322] {strides = array<i32>} : memref<81x128xi16, #tpu.memory_space<vmem>>, vector<32xi16>,
        %bitcast3A_324 = vector.bitcast %get3A_323 : vector<32xi16> to vector<16xi32>
        %and3A_325 = arith.constant 65535 : i32
        %and3A_326 = vector.broadcast %and3A_325 : i32 to vector<16xi32>
        %and3A_327 = arith.andi %bitcast3A_324, %and3A_326 : vector<16xi32>
        %shift_right_logical3A_328 = arith.constant 16 : i32
        %shift_right_logical3A_329 = vector.broadcast %shift_right_logical3A_328 : i32 to vector<16xi32>
        %shift_right_logical3A_330 = arith.shrui %bitcast3A_324, %shift_right_logical3A_329 : vector<16xi32>
        %and3A_331 = arith.constant 65535 : i32
        %and3A_332 = vector.broadcast %and3A_331 : i32 to vector<16xi32>
        %and3A_333 = arith.andi %shift_right_logical3A_330, %and3A_332 : vector<16xi32>
        %add3A_334 = arith.constant 0 : i32
        %add3A_335 = vector.broadcast %add3A_334 : i32 to vector<16xi32>
        %add3A_336 = arith.addi %mul3A_320, %add3A_335 : vector<16xi32>
        tpu.vector_store_idx %arg13[%add3A_336], %and3A_327 : memref<128xi32, #tpu.memory_space<vmem>>[vector<16xi32>], vector<16xi32>,
        %add3A_337 = arith.constant 0 : i32
        %add3A_338 = vector.broadcast %add3A_337 : i32 to vector<16xi32>
        %add3A_339 = arith.addi %mul3A_320, %add3A_338 : vector<16xi32>
        %add3A_340 = arith.constant 1 : i32
        %add3A_341 = vector.broadcast %add3A_340 : i32 to vector<16xi32>
        %add3A_342 = arith.addi %add3A_339, %add3A_341 : vector<16xi32>
        tpu.vector_store_idx %arg13[%add3A_342], %and3A_333 : memref<128xi32, #tpu.memory_space<vmem>>[vector<16xi32>], vector<16xi32>,
        %get3A_343 = arith.index_cast %add3A_316 : i32 to index
        %get3A_344 = arith.constant 32 : index
        %get3A_345 = tpu.vector_load %arg8[%get3A_343, %get3A_344] {strides = array<i32>} : memref<81x128xi16, #tpu.memory_space<vmem>>, vector<32xi16>,
        %bitcast3A_346 = vector.bitcast %get3A_345 : vector<32xi16> to vector<16xi32>
        %and3A_347 = arith.constant 65535 : i32
        %and3A_348 = vector.broadcast %and3A_347 : i32 to vector<16xi32>
        %and3A_349 = arith.andi %bitcast3A_346, %and3A_348 : vector<16xi32>
        %shift_right_logical3A_350 = arith.constant 16 : i32
        %shift_right_logical3A_351 = vector.broadcast %shift_right_logical3A_350 : i32 to vector<16xi32>
        %shift_right_logical3A_352 = arith.shrui %bitcast3A_346, %shift_right_logical3A_351 : vector<16xi32>
        %and3A_353 = arith.constant 65535 : i32
        %and3A_354 = vector.broadcast %and3A_353 : i32 to vector<16xi32>
        %and3A_355 = arith.andi %shift_right_logical3A_352, %and3A_354 : vector<16xi32>
        %add3A_356 = arith.constant 32 : i32
        %add3A_357 = vector.broadcast %add3A_356 : i32 to vector<16xi32>
        %add3A_358 = arith.addi %mul3A_320, %add3A_357 : vector<16xi32>
        tpu.vector_store_idx %arg13[%add3A_358], %and3A_349 : memref<128xi32, #tpu.memory_space<vmem>>[vector<16xi32>], vector<16xi32>,
        %add3A_359 = arith.constant 32 : i32
        %add3A_360 = vector.broadcast %add3A_359 : i32 to vector<16xi32>
        %add3A_361 = arith.addi %mul3A_320, %add3A_360 : vector<16xi32>
        %add3A_362 = arith.constant 1 : i32
        %add3A_363 = vector.broadcast %add3A_362 : i32 to vector<16xi32>
        %add3A_364 = arith.addi %add3A_361, %add3A_363 : vector<16xi32>
        tpu.vector_store_idx %arg13[%add3A_364], %and3A_355 : memref<128xi32, #tpu.memory_space<vmem>>[vector<16xi32>], vector<16xi32>,
        %get3A_365 = arith.index_cast %add3A_316 : i32 to index
        %get3A_366 = arith.constant 64 : index
        %get3A_367 = tpu.vector_load %arg8[%get3A_365, %get3A_366] {strides = array<i32>} : memref<81x128xi16, #tpu.memory_space<vmem>>, vector<32xi16>,
        %bitcast3A_368 = vector.bitcast %get3A_367 : vector<32xi16> to vector<16xi32>
        %and3A_369 = arith.constant 65535 : i32
        %and3A_370 = vector.broadcast %and3A_369 : i32 to vector<16xi32>
        %and3A_371 = arith.andi %bitcast3A_368, %and3A_370 : vector<16xi32>
        %shift_right_logical3A_372 = arith.constant 16 : i32
        %shift_right_logical3A_373 = vector.broadcast %shift_right_logical3A_372 : i32 to vector<16xi32>
        %shift_right_logical3A_374 = arith.shrui %bitcast3A_368, %shift_right_logical3A_373 : vector<16xi32>
        %and3A_375 = arith.constant 65535 : i32
        %and3A_376 = vector.broadcast %and3A_375 : i32 to vector<16xi32>
        %and3A_377 = arith.andi %shift_right_logical3A_374, %and3A_376 : vector<16xi32>
        %add3A_378 = arith.constant 64 : i32
        %add3A_379 = vector.broadcast %add3A_378 : i32 to vector<16xi32>
        %add3A_380 = arith.addi %mul3A_320, %add3A_379 : vector<16xi32>
        tpu.vector_store_idx %arg13[%add3A_380], %and3A_371 : memref<128xi32, #tpu.memory_space<vmem>>[vector<16xi32>], vector<16xi32>,
        %add3A_381 = arith.constant 64 : i32
        %add3A_382 = vector.broadcast %add3A_381 : i32 to vector<16xi32>
        %add3A_383 = arith.addi %mul3A_320, %add3A_382 : vector<16xi32>
        %add3A_384 = arith.constant 1 : i32
        %add3A_385 = vector.broadcast %add3A_384 : i32 to vector<16xi32>
        %add3A_386 = arith.addi %add3A_383, %add3A_385 : vector<16xi32>
        tpu.vector_store_idx %arg13[%add3A_386], %and3A_377 : memref<128xi32, #tpu.memory_space<vmem>>[vector<16xi32>], vector<16xi32>,
        %get3A_387 = arith.index_cast %add3A_316 : i32 to index
        %get3A_388 = arith.constant 96 : index
        %get3A_389 = tpu.vector_load %arg8[%get3A_387, %get3A_388] {strides = array<i32>} : memref<81x128xi16, #tpu.memory_space<vmem>>, vector<32xi16>,
        %bitcast3A_390 = vector.bitcast %get3A_389 : vector<32xi16> to vector<16xi32>
        %and3A_391 = arith.constant 65535 : i32
        %and3A_392 = vector.broadcast %and3A_391 : i32 to vector<16xi32>
        %and3A_393 = arith.andi %bitcast3A_390, %and3A_392 : vector<16xi32>
        %shift_right_logical3A_394 = arith.constant 16 : i32
        %shift_right_logical3A_395 = vector.broadcast %shift_right_logical3A_394 : i32 to vector<16xi32>
        %shift_right_logical3A_396 = arith.shrui %bitcast3A_390, %shift_right_logical3A_395 : vector<16xi32>
        %and3A_397 = arith.constant 65535 : i32
        %and3A_398 = vector.broadcast %and3A_397 : i32 to vector<16xi32>
        %and3A_399 = arith.andi %shift_right_logical3A_396, %and3A_398 : vector<16xi32>
        %add3A_400 = arith.constant 96 : i32
        %add3A_401 = vector.broadcast %add3A_400 : i32 to vector<16xi32>
        %add3A_402 = arith.addi %mul3A_320, %add3A_401 : vector<16xi32>
        tpu.vector_store_idx %arg13[%add3A_402], %and3A_393 : memref<128xi32, #tpu.memory_space<vmem>>[vector<16xi32>], vector<16xi32>,
        %add3A_403 = arith.constant 96 : i32
        %add3A_404 = vector.broadcast %add3A_403 : i32 to vector<16xi32>
        %add3A_405 = arith.addi %mul3A_320, %add3A_404 : vector<16xi32>
        %add3A_406 = arith.constant 1 : i32
        %add3A_407 = vector.broadcast %add3A_406 : i32 to vector<16xi32>
        %add3A_408 = arith.addi %add3A_405, %add3A_407 : vector<16xi32>
        tpu.vector_store_idx %arg13[%add3A_408], %and3A_399 : memref<128xi32, #tpu.memory_space<vmem>>[vector<16xi32>], vector<16xi32>,
      } else {
      }
    }
    %scan3A_196 = arith.constant 40 : i32
    %dma_wait3A = arith.constant 0 : i32
    %dma_wait3A_197 = arith.constant 0 : i32
    %dma_wait3A_198 = tpu.memref_slice %arg2[%dma_wait3A, %dma_wait3A_197] : memref<10240x128xf32, #tpu.memory_space<hbm>> -> memref<10240x128xf32, #tpu.memory_space<hbm>>
    tpu.wait_indirect_dma semaphore(%arg14 : memref<!tpu.dma_semaphore, #tpu.memory_space<semaphore_mem>>) src(%dma_wait3A_198 : memref<10240x128xf32, #tpu.memory_space<hbm>>) dst(%arg10 : memref<128x128xf32, #tpu.memory_space<vmem>>)
    %run_scoped3A = arith.constant 80 : i32
    "tpu.region"() ({
      %run_scoped3A_200 = tpu.sem_alloc : memref<!tpu.dma_semaphore, #tpu.memory_space<semaphore_mem>>
      %dma_start3A_201 = arith.constant 0 : i32
      %dma_start3A_202 = tpu.memref_slice %arg9[%run_scoped3A, %dma_start3A_201] : memref<81x128xi32, #tpu.memory_space<vmem>> -> memref<1x128xi32, #tpu.memory_space<vmem>>
      %dma_start3A_203 = tpu.memref_squeeze %dma_start3A_202 : memref<1x128xi32, #tpu.memory_space<vmem>> -> memref<128xi32, #tpu.memory_space<vmem>>
      %dma_start3A_204 = arith.constant 0 : i32
      %dma_start3A_205 = arith.constant 0 : i32
      %dma_start3A_206 = tpu.memref_slice %arg7[%dma_start3A_204, %dma_start3A_205] : memref<10240x128xf32, #tpu.memory_space<vmem_shared>> -> memref<10240x128xf32, #tpu.memory_space<vmem_shared>>
      tpu.enqueue_indirect_dma source(%arg10 : memref<128x128xf32, #tpu.memory_space<vmem>>) target(%dma_start3A_206 : memref<10240x128xf32, #tpu.memory_space<vmem_shared>>) offsets(%dma_start3A_203 : memref<128xi32, #tpu.memory_space<vmem>>) semaphore(%run_scoped3A_200 : memref<!tpu.dma_semaphore, #tpu.memory_space<semaphore_mem>>) {add = true}
      %dma_wait3A_207 = arith.constant 0 : i32
      %dma_wait3A_208 = tpu.memref_slice %arg9[%run_scoped3A, %dma_wait3A_207] : memref<81x128xi32, #tpu.memory_space<vmem>> -> memref<1x128xi32, #tpu.memory_space<vmem>>
      %dma_wait3A_209 = tpu.memref_squeeze %dma_wait3A_208 : memref<1x128xi32, #tpu.memory_space<vmem>> -> memref<128xi32, #tpu.memory_space<vmem>>
      %dma_wait3A_210 = arith.constant 0 : i32
      %dma_wait3A_211 = arith.constant 0 : i32
      %dma_wait3A_212 = tpu.memref_slice %arg7[%dma_wait3A_210, %dma_wait3A_211] : memref<10240x128xf32, #tpu.memory_space<vmem_shared>> -> memref<10240x128xf32, #tpu.memory_space<vmem_shared>>
      tpu.wait_indirect_dma semaphore(%run_scoped3A_200 : memref<!tpu.dma_semaphore, #tpu.memory_space<semaphore_mem>>) src(%arg10 : memref<128x128xf32, #tpu.memory_space<vmem>>) dst(%dma_wait3A_212 : memref<10240x128xf32, #tpu.memory_space<vmem_shared>>)
      tpu.yield
    }) : () -> ()
    %barrier3A_199 = arith.constant 0 : index
    tpu.barrier barrier_id(%barrier3A_199)
    "tpu.region"() ({
      %run_scoped3A_200 = tpu.sem_alloc : memref<!tpu.dma_semaphore, #tpu.memory_space<semaphore_mem>>
      %dma_start3A_201 = arith.constant 0 : i32
      %dma_start3A_202 = tpu.memref_slice %arg6[%arg0, %mul3A_2, %dma_start3A_201] : memref<2x10240x128xf32, #tpu.memory_space<hbm>> -> memref<1x640x128xf32, #tpu.memory_space<hbm>>
      %dma_start3A_203 = tpu.memref_squeeze %dma_start3A_202 : memref<1x640x128xf32, #tpu.memory_space<hbm>> -> memref<640x128xf32, #tpu.memory_space<hbm>>
      %dma_start3A_204 = arith.constant 0 : i32
      %dma_start3A_205 = tpu.memref_slice %arg7[%mul3A_2, %dma_start3A_204] : memref<10240x128xf32, #tpu.memory_space<vmem_shared>> -> memref<640x128xf32, #tpu.memory_space<vmem_shared>>
      tpu.enqueue_dma source(%dma_start3A_205 : memref<640x128xf32, #tpu.memory_space<vmem_shared>>) target(%dma_start3A_203 : memref<640x128xf32, #tpu.memory_space<hbm>>) target_semaphore(%run_scoped3A_200 : memref<!tpu.dma_semaphore, #tpu.memory_space<semaphore_mem>>)
      %dma_wait3A_206 = arith.constant 0 : i32
      %dma_wait3A_207 = tpu.memref_slice %arg6[%arg0, %mul3A_2, %dma_wait3A_206] : memref<2x10240x128xf32, #tpu.memory_space<hbm>> -> memref<1x640x128xf32, #tpu.memory_space<hbm>>
      %dma_wait3A_208 = tpu.memref_squeeze %dma_wait3A_207 : memref<1x640x128xf32, #tpu.memory_space<hbm>> -> memref<640x128xf32, #tpu.memory_space<hbm>>
      %dma_wait3A_209 = arith.constant 0 : i32
      %dma_wait3A_210 = tpu.memref_slice %arg7[%mul3A_2, %dma_wait3A_209] : memref<10240x128xf32, #tpu.memory_space<vmem_shared>> -> memref<640x128xf32, #tpu.memory_space<vmem_shared>>
      tpu.wait_dma2 semaphore(%run_scoped3A_200 : memref<!tpu.dma_semaphore, #tpu.memory_space<semaphore_mem>>) src(%dma_wait3A_210 : memref<640x128xf32, #tpu.memory_space<vmem_shared>>) dst(%dma_wait3A_208 : memref<640x128xf32, #tpu.memory_space<hbm>>)
      tpu.yield
    }) : () -> ()
    return
  }
}

module attributes {stable_mosaic.version = 14 : i64} {
  func.func @_tcb_body(%arg0: i32, %arg1: memref<1024x128xf32, #tpu.memory_space<vmem>>, %arg2: memref<128x128xf32, #tpu.memory_space<vmem>>, %arg3: memref<2x1024xf32, #tpu.memory_space<vmem>>, %arg4: memref<1024x128xf32, #tpu.memory_space<vmem>>) attributes {dimension_semantics = [#tpu.dimension_semantics<arbitrary>], iteration_bounds = array<i64: 10>, scalar_prefetch = 0 : i64, scratch_operands = 0 : i64, tpu.core_type = #tpu.core_type<tc>, window_params = [{transform_indices = @transform_0, window_bounds = array<i64: 1024, 128>}, {pipeline_mode = #tpu.pipeline_mode<synchronous>, transform_indices = @transform_1, window_bounds = array<i64: 128, 128>}, {transform_indices = @transform_2, window_bounds = array<i64: 2, 1024>}, {transform_indices = @transform_3, window_bounds = array<i64: 1024, 128>}]} {
    %get3A = arith.constant 0 : index
    %get3A_0 = arith.constant 0 : index
    %get3A_1 = vector.load %arg3[%get3A, %get3A_0] : memref<2x1024xf32, #tpu.memory_space<vmem>>, vector<2x1024xf32>
    %slice3A = vector.extract_strided_slice %get3A_1 {offsets = [0, 0], sizes = [1, 1024], strides = [1, 1]} : vector<2x1024xf32> to vector<1x1024xf32>
    %squeeze3A = vector.shape_cast %slice3A : vector<1x1024xf32> to vector<1024xf32>
    %slice3A_2 = vector.extract_strided_slice %get3A_1 {offsets = [1, 0], sizes = [1, 1024], strides = [1, 1]} : vector<2x1024xf32> to vector<1x1024xf32>
    %squeeze3A_3 = vector.shape_cast %slice3A_2 : vector<1x1024xf32> to vector<1024xf32>
    %add3A = arith.addf %squeeze3A, %squeeze3A_3 : vector<1024xf32>
    %gt3A = arith.constant 0.000000e+00 : f32
    %gt3A_4 = vector.broadcast %gt3A : f32 to vector<1024xf32>
    %gt3A_5 = arith.cmpf ogt, %add3A, %gt3A_4 : vector<1024xf32>
    %rsqrt3A = math.rsqrt %add3A : vector<1024xf32>
    %jit3A = arith.constant 0.000000e+00 : f32
    %broadcast_in_dim3A = vector.broadcast %jit3A : f32 to vector<1024xf32>
    %select_n3A = arith.select %gt3A_5, %rsqrt3A, %broadcast_in_dim3A : vector<1024xi1>, vector<1024xf32>
    %get3A_6 = arith.constant 0 : index
    %get3A_7 = arith.constant 0 : index
    %get3A_8 = vector.load %arg1[%get3A_6, %get3A_7] : memref<1024x128xf32, #tpu.memory_space<vmem>>, vector<1024x128xf32>
    %get3A_9 = arith.constant 0 : index
    %get3A_10 = arith.constant 0 : index
    %get3A_11 = vector.load %arg2[%get3A_9, %get3A_10] : memref<128x128xf32, #tpu.memory_space<vmem>>, vector<128x128xf32>
    %dot_general3A = arith.constant dense<0.000000e+00> : vector<1024x128xf32>
    %dot_general3A_12 = tpu.matmul %get3A_8, %get3A_11, %dot_general3A {dimension_numbers = #tpu.dot_dimension_numbers<[1], [0], [0], [1], [0, 0, 1, 1], [], []>, transpose_lhs_hint = false} : vector<1024x128xf32>, vector<128x128xf32>, vector<1024x128xf32> -> vector<1024x128xf32>
    %broadcast_in_dim3A_13 = vector.shape_cast %select_n3A : vector<1024xf32> to vector<1024x1xf32>
    %mul3A = vector.broadcast %broadcast_in_dim3A_13 : vector<1024x1xf32> to vector<1024x128xf32>
    %mul3A_14 = arith.mulf %dot_general3A_12, %mul3A : vector<1024x128xf32>
    %swap3A = arith.constant 0 : index
    %swap3A_15 = arith.constant 0 : index
    %swap3A_16 = vector.load %arg4[%swap3A, %swap3A_15] : memref<1024x128xf32, #tpu.memory_space<vmem>>, vector<1024x128xf32>
    tpu.vector_store %arg4[%swap3A, %swap3A_15], %mul3A_14 {strides = array<i32>} : memref<1024x128xf32, #tpu.memory_space<vmem>>, vector<1024x128xf32>,
    return
  }
  func.func @transform_0(%arg0: i32) -> (i32, i32) {
    %c0_i32 = arith.constant 0 : i32
    %c0_i32_0 = arith.constant 0 : i32
    return %arg0, %c0_i32 : i32, i32
  }
  func.func @transform_1(%arg0: i32) -> (i32, i32) {
    %c0_i32 = arith.constant 0 : i32
    %c0_i32_0 = arith.constant 0 : i32
    %c0_i32_1 = arith.constant 0 : i32
    return %c0_i32, %c0_i32_0 : i32, i32
  }
  func.func @transform_2(%arg0: i32) -> (i32, i32) {
    %c0_i32 = arith.constant 0 : i32
    %c0_i32_0 = arith.constant 0 : i32
    return %c0_i32, %arg0 : i32, i32
  }
  func.func @transform_3(%arg0: i32) -> (i32, i32) {
    %c0_i32 = arith.constant 0 : i32
    %c0_i32_0 = arith.constant 0 : i32
    return %arg0, %c0_i32 : i32, i32
  }
}

module attributes {stable_mosaic.version = 14 : i64} {
  func.func @_tcd_body(%arg0: i32, %arg1: memref<2x1024x128xf32, #tpu.memory_space<vmem>>, %arg2: memref<2x1024xf32, #tpu.memory_space<vmem>>, %arg3: memref<1x128xf32, #tpu.memory_space<vmem>>, %arg4: memref<1x128xf32, #tpu.memory_space<vmem>>, %arg5: memref<1x128xf32, #tpu.memory_space<vmem>>, %arg6: memref<128x64xf32, #tpu.memory_space<vmem>>, %arg7: memref<1024x64xf32, #tpu.memory_space<vmem>>) attributes {dimension_semantics = [#tpu.dimension_semantics<arbitrary>], iteration_bounds = array<i64: 10>, scalar_prefetch = 0 : i64, scratch_operands = 0 : i64, tpu.core_type = #tpu.core_type<tc>, window_params = [{transform_indices = @transform_0, window_bounds = array<i64: 2, 1024, 128>}, {transform_indices = @transform_1, window_bounds = array<i64: 2, 1024>}, {pipeline_mode = #tpu.pipeline_mode<synchronous>, transform_indices = @transform_2, window_bounds = array<i64: 1, 128>}, {pipeline_mode = #tpu.pipeline_mode<synchronous>, transform_indices = @transform_3, window_bounds = array<i64: 1, 128>}, {pipeline_mode = #tpu.pipeline_mode<synchronous>, transform_indices = @transform_4, window_bounds = array<i64: 1, 128>}, {pipeline_mode = #tpu.pipeline_mode<synchronous>, transform_indices = @transform_5, window_bounds = array<i64: 128, 64>}, {transform_indices = @transform_6, window_bounds = array<i64: 1024, 64>}]} {
    %get3A = arith.constant 0 : index
    %get3A_0 = arith.constant 0 : index
    %get3A_1 = vector.load %arg2[%get3A, %get3A_0] : memref<2x1024xf32, #tpu.memory_space<vmem>>, vector<2x1024xf32>
    %slice3A = vector.extract_strided_slice %get3A_1 {offsets = [0, 0], sizes = [1, 1024], strides = [1, 1]} : vector<2x1024xf32> to vector<1x1024xf32>
    %squeeze3A = vector.shape_cast %slice3A : vector<1x1024xf32> to vector<1024xf32>
    %slice3A_2 = vector.extract_strided_slice %get3A_1 {offsets = [1, 0], sizes = [1, 1024], strides = [1, 1]} : vector<2x1024xf32> to vector<1x1024xf32>
    %squeeze3A_3 = vector.shape_cast %slice3A_2 : vector<1x1024xf32> to vector<1024xf32>
    %add3A = arith.addf %squeeze3A, %squeeze3A_3 : vector<1024xf32>
    %gt3A = arith.constant 0.000000e+00 : f32
    %gt3A_4 = vector.broadcast %gt3A : f32 to vector<1024xf32>
    %gt3A_5 = arith.cmpf ogt, %add3A, %gt3A_4 : vector<1024xf32>
    %rsqrt3A = math.rsqrt %add3A : vector<1024xf32>
    %jit3A = arith.constant 0.000000e+00 : f32
    %broadcast_in_dim3A = vector.broadcast %jit3A : f32 to vector<1024xf32>
    %select_n3A = arith.select %gt3A_5, %rsqrt3A, %broadcast_in_dim3A : vector<1024xi1>, vector<1024xf32>
    %get3A_6 = arith.constant 0 : index
    %get3A_7 = arith.constant 0 : index
    %get3A_8 = arith.constant 0 : index
    %get3A_9 = vector.load %arg1[%get3A_6, %get3A_7, %get3A_8] : memref<2x1024x128xf32, #tpu.memory_space<vmem>>, vector<1x1024x128xf32>
    %get3A_10 = vector.shape_cast %get3A_9 : vector<1x1024x128xf32> to vector<1024x128xf32>
    %get3A_11 = arith.constant 1 : index
    %get3A_12 = arith.constant 0 : index
    %get3A_13 = arith.constant 0 : index
    %get3A_14 = vector.load %arg1[%get3A_11, %get3A_12, %get3A_13] : memref<2x1024x128xf32, #tpu.memory_space<vmem>>, vector<1x1024x128xf32>
    %get3A_15 = vector.shape_cast %get3A_14 : vector<1x1024x128xf32> to vector<1024x128xf32>
    %add3A_16 = arith.addf %get3A_10, %get3A_15 : vector<1024x128xf32>
    %broadcast_in_dim3A_17 = vector.shape_cast %select_n3A : vector<1024xf32> to vector<1024x1xf32>
    %mul3A = vector.broadcast %broadcast_in_dim3A_17 : vector<1024x1xf32> to vector<1024x128xf32>
    %mul3A_18 = arith.mulf %add3A_16, %mul3A : vector<1024x128xf32>
    %get3A_19 = arith.constant 0 : index
    %get3A_20 = arith.constant 0 : index
    %get3A_21 = vector.load %arg3[%get3A_19, %get3A_20] : memref<1x128xf32, #tpu.memory_space<vmem>>, vector<1x128xf32>
    %add3A_22 = vector.broadcast %get3A_21 : vector<1x128xf32> to vector<1024x128xf32>
    %add3A_23 = arith.addf %mul3A_18, %add3A_22 : vector<1024x128xf32>
    %reduce_sum3A = arith.constant dense<0.000000e+00> : vector<1024xf32>
    %reduce_sum3A_24 = vector.multi_reduction <add>, %add3A_23, %reduce_sum3A [1] : vector<1024x128xf32> to vector<1024xf32>
    %broadcast_in_dim3A_25 = vector.shape_cast %reduce_sum3A_24 : vector<1024xf32> to vector<1024x1xf32>
    %div3A = arith.constant 1.280000e+02 : f32
    %div3A_26 = vector.broadcast %div3A : f32 to vector<1024x1xf32>
    %div3A_27 = arith.divf %broadcast_in_dim3A_25, %div3A_26 : vector<1024x1xf32>
    %sub3A = vector.broadcast %div3A_27 : vector<1024x1xf32> to vector<1024x128xf32>
    %sub3A_28 = arith.subf %add3A_23, %sub3A : vector<1024x128xf32>
    %integer_pow3A = arith.mulf %sub3A_28, %sub3A_28 : vector<1024x128xf32>
    %reduce_sum3A_29 = arith.constant dense<0.000000e+00> : vector<1024xf32>
    %reduce_sum3A_30 = vector.multi_reduction <add>, %integer_pow3A, %reduce_sum3A_29 [1] : vector<1024x128xf32> to vector<1024xf32>
    %broadcast_in_dim3A_31 = vector.shape_cast %reduce_sum3A_30 : vector<1024xf32> to vector<1024x1xf32>
    %div3A_32 = arith.constant 1.280000e+02 : f32
    %div3A_33 = vector.broadcast %div3A_32 : f32 to vector<1024x1xf32>
    %div3A_34 = arith.divf %broadcast_in_dim3A_31, %div3A_33 : vector<1024x1xf32>
    %sub3A_35 = vector.broadcast %div3A_27 : vector<1024x1xf32> to vector<1024x128xf32>
    %sub3A_36 = arith.subf %add3A_23, %sub3A_35 : vector<1024x128xf32>
    %add3A_37 = arith.constant 9.99999974E-6 : f32
    %add3A_38 = vector.broadcast %add3A_37 : f32 to vector<1024x1xf32>
    %add3A_39 = arith.addf %div3A_34, %add3A_38 : vector<1024x1xf32>
    %rsqrt3A_40 = math.rsqrt %add3A_39 : vector<1024x1xf32>
    %mul3A_41 = vector.broadcast %rsqrt3A_40 : vector<1024x1xf32> to vector<1024x128xf32>
    %mul3A_42 = arith.mulf %sub3A_36, %mul3A_41 : vector<1024x128xf32>
    %get3A_43 = arith.constant 0 : index
    %get3A_44 = arith.constant 0 : index
    %get3A_45 = vector.load %arg4[%get3A_43, %get3A_44] : memref<1x128xf32, #tpu.memory_space<vmem>>, vector<1x128xf32>
    %mul3A_46 = vector.broadcast %get3A_45 : vector<1x128xf32> to vector<1024x128xf32>
    %mul3A_47 = arith.mulf %mul3A_42, %mul3A_46 : vector<1024x128xf32>
    %get3A_48 = arith.constant 0 : index
    %get3A_49 = arith.constant 0 : index
    %get3A_50 = vector.load %arg5[%get3A_48, %get3A_49] : memref<1x128xf32, #tpu.memory_space<vmem>>, vector<1x128xf32>
    %add3A_51 = vector.broadcast %get3A_50 : vector<1x128xf32> to vector<1024x128xf32>
    %add3A_52 = arith.addf %mul3A_47, %add3A_51 : vector<1024x128xf32>
    %max3A = arith.constant 0.000000e+00 : f32
    %max3A_53 = vector.broadcast %max3A : f32 to vector<1024x128xf32>
    %max3A_54 = arith.maximumf %add3A_52, %max3A_53 : vector<1024x128xf32>
    %get3A_55 = arith.constant 0 : index
    %get3A_56 = arith.constant 0 : index
    %get3A_57 = vector.load %arg6[%get3A_55, %get3A_56] : memref<128x64xf32, #tpu.memory_space<vmem>>, vector<128x64xf32>
    %dot_general3A = arith.constant dense<0.000000e+00> : vector<1024x64xf32>
    %dot_general3A_58 = tpu.matmul %max3A_54, %get3A_57, %dot_general3A {dimension_numbers = #tpu.dot_dimension_numbers<[1], [0], [0], [1], [0, 0, 1, 1], [], []>, transpose_lhs_hint = false} : vector<1024x128xf32>, vector<128x64xf32>, vector<1024x64xf32> -> vector<1024x64xf32>
    %broadcast_in_dim3A_59 = vector.shape_cast %select_n3A : vector<1024xf32> to vector<1024x1xf32>
    %mul3A_60 = vector.broadcast %broadcast_in_dim3A_59 : vector<1024x1xf32> to vector<1024x64xf32>
    %mul3A_61 = arith.mulf %dot_general3A_58, %mul3A_60 : vector<1024x64xf32>
    %swap3A = arith.constant 0 : index
    %swap3A_62 = arith.constant 0 : index
    %swap3A_63 = vector.load %arg7[%swap3A, %swap3A_62] : memref<1024x64xf32, #tpu.memory_space<vmem>>, vector<1024x64xf32>
    tpu.vector_store %arg7[%swap3A, %swap3A_62], %mul3A_61 {strides = array<i32>} : memref<1024x64xf32, #tpu.memory_space<vmem>>, vector<1024x64xf32>,
    return
  }
  func.func @transform_0(%arg0: i32) -> (i32, i32, i32) {
    %c0_i32 = arith.constant 0 : i32
    %c0_i32_0 = arith.constant 0 : i32
    %c0_i32_1 = arith.constant 0 : i32
    return %c0_i32, %arg0, %c0_i32_0 : i32, i32, i32
  }
  func.func @transform_1(%arg0: i32) -> (i32, i32) {
    %c0_i32 = arith.constant 0 : i32
    %c0_i32_0 = arith.constant 0 : i32
    return %c0_i32, %arg0 : i32, i32
  }
  func.func @transform_2(%arg0: i32) -> (i32, i32) {
    %c0_i32 = arith.constant 0 : i32
    %c0_i32_0 = arith.constant 0 : i32
    %c0_i32_1 = arith.constant 0 : i32
    return %c0_i32, %c0_i32_0 : i32, i32
  }
  func.func @transform_3(%arg0: i32) -> (i32, i32) {
    %c0_i32 = arith.constant 0 : i32
    %c0_i32_0 = arith.constant 0 : i32
    %c0_i32_1 = arith.constant 0 : i32
    return %c0_i32, %c0_i32_0 : i32, i32
  }
  func.func @transform_4(%arg0: i32) -> (i32, i32) {
    %c0_i32 = arith.constant 0 : i32
    %c0_i32_0 = arith.constant 0 : i32
    %c0_i32_1 = arith.constant 0 : i32
    return %c0_i32, %c0_i32_0 : i32, i32
  }
  func.func @transform_5(%arg0: i32) -> (i32, i32) {
    %c0_i32 = arith.constant 0 : i32
    %c0_i32_0 = arith.constant 0 : i32
    %c0_i32_1 = arith.constant 0 : i32
    return %c0_i32, %c0_i32_0 : i32, i32
  }
  func.func @transform_6(%arg0: i32) -> (i32, i32) {
    %c0_i32 = arith.constant 0 : i32
    %c0_i32_0 = arith.constant 0 : i32
    return %arg0, %c0_i32 : i32, i32
  }
}

module attributes {stable_mosaic.version = 14 : i64} {
  func.func @_tcf_body(%arg0: i32, %arg1: memref<2x1024x64xf32, #tpu.memory_space<vmem>>, %arg2: memref<2x1024xf32, #tpu.memory_space<vmem>>, %arg3: memref<1x64xf32, #tpu.memory_space<vmem>>, %arg4: memref<1x64xf32, #tpu.memory_space<vmem>>, %arg5: memref<1x64xf32, #tpu.memory_space<vmem>>, %arg6: memref<1024x1xi32, #tpu.memory_space<vmem>>, %arg7: memref<16x64xf32, #tpu.memory_space<vmem>>, %arg8: memref<16x64xf32, #tpu.memory_space<vmem>>, %arg9: memref<16x64xf32, #tpu.memory_space<vmem>>) attributes {dimension_semantics = [#tpu.dimension_semantics<arbitrary>], iteration_bounds = array<i64: 10>, scalar_prefetch = 0 : i64, scratch_operands = 2 : i64, tpu.core_type = #tpu.core_type<tc>, window_params = [{transform_indices = @transform_0, window_bounds = array<i64: 2, 1024, 64>}, {transform_indices = @transform_1, window_bounds = array<i64: 2, 1024>}, {pipeline_mode = #tpu.pipeline_mode<synchronous>, transform_indices = @transform_2, window_bounds = array<i64: 1, 64>}, {pipeline_mode = #tpu.pipeline_mode<synchronous>, transform_indices = @transform_3, window_bounds = array<i64: 1, 64>}, {pipeline_mode = #tpu.pipeline_mode<synchronous>, transform_indices = @transform_4, window_bounds = array<i64: 1, 64>}, {transform_indices = @transform_5, window_bounds = array<i64: 1024, 1>}, {pipeline_mode = #tpu.pipeline_mode<synchronous>, transform_indices = @transform_6, window_bounds = array<i64: 16, 64>}]} {
    %eq3A = arith.constant 0 : i32
    %eq3A_0 = arith.cmpi eq, %arg0, %eq3A : i32
    %convert_element_type3A = arith.extui %eq3A_0 : i1 to i32
    %cond3A = arith.constant 0 : i32
    %cond3A_1 = arith.cmpi ne, %convert_element_type3A, %cond3A : i32
    scf.if %cond3A_1 {
      %broadcast_in_dim3A_88 = arith.constant 0.000000e+00 : f32
      %broadcast_in_dim3A_89 = vector.broadcast %broadcast_in_dim3A_88 : f32 to vector<16x64xf32>
      %swap3A_90 = arith.constant 0 : index
      %swap3A_91 = arith.constant 0 : index
      %swap3A_92 = vector.load %arg8[%swap3A_90, %swap3A_91] : memref<16x64xf32, #tpu.memory_space<vmem>>, vector<16x64xf32>
      tpu.vector_store %arg8[%swap3A_90, %swap3A_91], %broadcast_in_dim3A_89 {strides = array<i32>} : memref<16x64xf32, #tpu.memory_space<vmem>>, vector<16x64xf32>,
      %broadcast_in_dim3A_93 = arith.constant 0.000000e+00 : f32
      %broadcast_in_dim3A_94 = vector.broadcast %broadcast_in_dim3A_93 : f32 to vector<16x64xf32>
      %swap3A_95 = arith.constant 0 : index
      %swap3A_96 = arith.constant 0 : index
      %swap3A_97 = vector.load %arg9[%swap3A_95, %swap3A_96] : memref<16x64xf32, #tpu.memory_space<vmem>>, vector<16x64xf32>
      tpu.vector_store %arg9[%swap3A_95, %swap3A_96], %broadcast_in_dim3A_94 {strides = array<i32>} : memref<16x64xf32, #tpu.memory_space<vmem>>, vector<16x64xf32>,
    } else {
    }
    %get3A = arith.constant 0 : index
    %get3A_2 = arith.constant 0 : index
    %get3A_3 = vector.load %arg2[%get3A, %get3A_2] : memref<2x1024xf32, #tpu.memory_space<vmem>>, vector<2x1024xf32>
    %slice3A = vector.extract_strided_slice %get3A_3 {offsets = [0, 0], sizes = [1, 1024], strides = [1, 1]} : vector<2x1024xf32> to vector<1x1024xf32>
    %squeeze3A = vector.shape_cast %slice3A : vector<1x1024xf32> to vector<1024xf32>
    %slice3A_4 = vector.extract_strided_slice %get3A_3 {offsets = [1, 0], sizes = [1, 1024], strides = [1, 1]} : vector<2x1024xf32> to vector<1x1024xf32>
    %squeeze3A_5 = vector.shape_cast %slice3A_4 : vector<1x1024xf32> to vector<1024xf32>
    %add3A = arith.addf %squeeze3A, %squeeze3A_5 : vector<1024xf32>
    %gt3A = arith.constant 0.000000e+00 : f32
    %gt3A_6 = vector.broadcast %gt3A : f32 to vector<1024xf32>
    %gt3A_7 = arith.cmpf ogt, %add3A, %gt3A_6 : vector<1024xf32>
    %rsqrt3A = math.rsqrt %add3A : vector<1024xf32>
    %jit3A = arith.constant 0.000000e+00 : f32
    %broadcast_in_dim3A = vector.broadcast %jit3A : f32 to vector<1024xf32>
    %select_n3A = arith.select %gt3A_7, %rsqrt3A, %broadcast_in_dim3A : vector<1024xi1>, vector<1024xf32>
    %get3A_8 = arith.constant 0 : index
    %get3A_9 = arith.constant 0 : index
    %get3A_10 = arith.constant 0 : index
    %get3A_11 = vector.load %arg1[%get3A_8, %get3A_9, %get3A_10] : memref<2x1024x64xf32, #tpu.memory_space<vmem>>, vector<1x1024x64xf32>
    %get3A_12 = vector.shape_cast %get3A_11 : vector<1x1024x64xf32> to vector<1024x64xf32>
    %get3A_13 = arith.constant 1 : index
    %get3A_14 = arith.constant 0 : index
    %get3A_15 = arith.constant 0 : index
    %get3A_16 = vector.load %arg1[%get3A_13, %get3A_14, %get3A_15] : memref<2x1024x64xf32, #tpu.memory_space<vmem>>, vector<1x1024x64xf32>
    %get3A_17 = vector.shape_cast %get3A_16 : vector<1x1024x64xf32> to vector<1024x64xf32>
    %add3A_18 = arith.addf %get3A_12, %get3A_17 : vector<1024x64xf32>
    %broadcast_in_dim3A_19 = vector.shape_cast %select_n3A : vector<1024xf32> to vector<1024x1xf32>
    %mul3A = vector.broadcast %broadcast_in_dim3A_19 : vector<1024x1xf32> to vector<1024x64xf32>
    %mul3A_20 = arith.mulf %add3A_18, %mul3A : vector<1024x64xf32>
    %get3A_21 = arith.constant 0 : index
    %get3A_22 = arith.constant 0 : index
    %get3A_23 = vector.load %arg3[%get3A_21, %get3A_22] : memref<1x64xf32, #tpu.memory_space<vmem>>, vector<1x64xf32>
    %add3A_24 = vector.broadcast %get3A_23 : vector<1x64xf32> to vector<1024x64xf32>
    %add3A_25 = arith.addf %mul3A_20, %add3A_24 : vector<1024x64xf32>
    %reduce_sum3A = arith.constant dense<0.000000e+00> : vector<1024xf32>
    %reduce_sum3A_26 = vector.multi_reduction <add>, %add3A_25, %reduce_sum3A [1] : vector<1024x64xf32> to vector<1024xf32>
    %broadcast_in_dim3A_27 = vector.shape_cast %reduce_sum3A_26 : vector<1024xf32> to vector<1024x1xf32>
    %div3A = arith.constant 6.400000e+01 : f32
    %div3A_28 = vector.broadcast %div3A : f32 to vector<1024x1xf32>
    %div3A_29 = arith.divf %broadcast_in_dim3A_27, %div3A_28 : vector<1024x1xf32>
    %sub3A = vector.broadcast %div3A_29 : vector<1024x1xf32> to vector<1024x64xf32>
    %sub3A_30 = arith.subf %add3A_25, %sub3A : vector<1024x64xf32>
    %integer_pow3A = arith.mulf %sub3A_30, %sub3A_30 : vector<1024x64xf32>
    %reduce_sum3A_31 = arith.constant dense<0.000000e+00> : vector<1024xf32>
    %reduce_sum3A_32 = vector.multi_reduction <add>, %integer_pow3A, %reduce_sum3A_31 [1] : vector<1024x64xf32> to vector<1024xf32>
    %broadcast_in_dim3A_33 = vector.shape_cast %reduce_sum3A_32 : vector<1024xf32> to vector<1024x1xf32>
    %div3A_34 = arith.constant 6.400000e+01 : f32
    %div3A_35 = vector.broadcast %div3A_34 : f32 to vector<1024x1xf32>
    %div3A_36 = arith.divf %broadcast_in_dim3A_33, %div3A_35 : vector<1024x1xf32>
    %sub3A_37 = vector.broadcast %div3A_29 : vector<1024x1xf32> to vector<1024x64xf32>
    %sub3A_38 = arith.subf %add3A_25, %sub3A_37 : vector<1024x64xf32>
    %add3A_39 = arith.constant 9.99999974E-6 : f32
    %add3A_40 = vector.broadcast %add3A_39 : f32 to vector<1024x1xf32>
    %add3A_41 = arith.addf %div3A_36, %add3A_40 : vector<1024x1xf32>
    %rsqrt3A_42 = math.rsqrt %add3A_41 : vector<1024x1xf32>
    %mul3A_43 = vector.broadcast %rsqrt3A_42 : vector<1024x1xf32> to vector<1024x64xf32>
    %mul3A_44 = arith.mulf %sub3A_38, %mul3A_43 : vector<1024x64xf32>
    %get3A_45 = arith.constant 0 : index
    %get3A_46 = arith.constant 0 : index
    %get3A_47 = vector.load %arg4[%get3A_45, %get3A_46] : memref<1x64xf32, #tpu.memory_space<vmem>>, vector<1x64xf32>
    %mul3A_48 = vector.broadcast %get3A_47 : vector<1x64xf32> to vector<1024x64xf32>
    %mul3A_49 = arith.mulf %mul3A_44, %mul3A_48 : vector<1024x64xf32>
    %get3A_50 = arith.constant 0 : index
    %get3A_51 = arith.constant 0 : index
    %get3A_52 = vector.load %arg5[%get3A_50, %get3A_51] : memref<1x64xf32, #tpu.memory_space<vmem>>, vector<1x64xf32>
    %add3A_53 = vector.broadcast %get3A_52 : vector<1x64xf32> to vector<1024x64xf32>
    %add3A_54 = arith.addf %mul3A_49, %add3A_53 : vector<1024x64xf32>
    %max3A = arith.constant 0.000000e+00 : f32
    %max3A_55 = vector.broadcast %max3A : f32 to vector<1024x64xf32>
    %max3A_56 = arith.maximumf %add3A_54, %max3A_55 : vector<1024x64xf32>
    %get3A_57 = arith.constant 0 : index
    %get3A_58 = arith.constant 0 : index
    %get3A_59 = vector.load %arg6[%get3A_57, %get3A_58] : memref<1024x1xi32, #tpu.memory_space<vmem>>, vector<1024x1xi32>
    %iota3A = tpu.iota {dimensions = array<i32: 1>} : vector<1024x16xi32>
    %eq3A_60 = vector.broadcast %get3A_59 : vector<1024x1xi32> to vector<1024x16xi32>
    %eq3A_61 = arith.cmpi eq, %eq3A_60, %iota3A : vector<1024x16xi32>
    %convert_element_type3A_62 = arith.extui %eq3A_61 : vector<1024x16xi1> to vector<1024x16xi32>
    %convert_element_type3A_63 = arith.sitofp %convert_element_type3A_62 : vector<1024x16xi32> to vector<1024x16xf32>
    %get3A_64 = arith.constant 0 : index
    %get3A_65 = arith.constant 0 : index
    %get3A_66 = vector.load %arg8[%get3A_64, %get3A_65] : memref<16x64xf32, #tpu.memory_space<vmem>>, vector<16x64xf32>
    %dot_general3A = arith.constant dense<0.000000e+00> : vector<16x64xf32>
    %dot_general3A_67 = tpu.matmul %convert_element_type3A_63, %max3A_56, %dot_general3A {dimension_numbers = #tpu.dot_dimension_numbers<[0], [0], [1], [1], [0, 1, 1, 1], [], []>, transpose_lhs_hint = false} : vector<1024x16xf32>, vector<1024x64xf32>, vector<16x64xf32> -> vector<16x64xf32>
    %add3A_68 = arith.addf %get3A_66, %dot_general3A_67 : vector<16x64xf32>
    %swap3A = arith.constant 0 : index
    %swap3A_69 = arith.constant 0 : index
    %swap3A_70 = vector.load %arg8[%swap3A, %swap3A_69] : memref<16x64xf32, #tpu.memory_space<vmem>>, vector<16x64xf32>
    tpu.vector_store %arg8[%swap3A, %swap3A_69], %add3A_68 {strides = array<i32>} : memref<16x64xf32, #tpu.memory_space<vmem>>, vector<16x64xf32>,
    %get3A_71 = arith.constant 0 : index
    %get3A_72 = arith.constant 0 : index
    %get3A_73 = vector.load %arg9[%get3A_71, %get3A_72] : memref<16x64xf32, #tpu.memory_space<vmem>>, vector<16x64xf32>
    %reduce_sum3A_74 = arith.constant dense<0.000000e+00> : vector<16xf32>
    %reduce_sum3A_75 = vector.multi_reduction <add>, %convert_element_type3A_63, %reduce_sum3A_74 [0] : vector<1024x16xf32> to vector<16xf32>
    %broadcast_in_dim3A_76 = vector.shape_cast %reduce_sum3A_75 : vector<16xf32> to vector<16x1xf32>
    %broadcast_in_dim3A_77 = vector.shape_cast %broadcast_in_dim3A_76 : vector<16x1xf32> to vector<16x1xf32>
    %broadcast_in_dim3A_78 = vector.broadcast %broadcast_in_dim3A_77 : vector<16x1xf32> to vector<16x64xf32>
    %add3A_79 = arith.addf %get3A_73, %broadcast_in_dim3A_78 : vector<16x64xf32>
    %swap3A_80 = arith.constant 0 : index
    %swap3A_81 = arith.constant 0 : index
    %swap3A_82 = vector.load %arg9[%swap3A_80, %swap3A_81] : memref<16x64xf32, #tpu.memory_space<vmem>>, vector<16x64xf32>
    tpu.vector_store %arg9[%swap3A_80, %swap3A_81], %add3A_79 {strides = array<i32>} : memref<16x64xf32, #tpu.memory_space<vmem>>, vector<16x64xf32>,
    %eq3A_83 = arith.constant 9 : i32
    %eq3A_84 = arith.cmpi eq, %arg0, %eq3A_83 : i32
    %convert_element_type3A_85 = arith.extui %eq3A_84 : i1 to i32
    %cond3A_86 = arith.constant 0 : i32
    %cond3A_87 = arith.cmpi ne, %convert_element_type3A_85, %cond3A_86 : i32
    scf.if %cond3A_87 {
      %get3A_88 = arith.constant 0 : index
      %get3A_89 = arith.constant 0 : index
      %get3A_90 = vector.load %arg8[%get3A_88, %get3A_89] : memref<16x64xf32, #tpu.memory_space<vmem>>, vector<16x64xf32>
      %get3A_91 = arith.constant 0 : index
      %get3A_92 = arith.constant 0 : index
      %get3A_93 = vector.load %arg9[%get3A_91, %get3A_92] : memref<16x64xf32, #tpu.memory_space<vmem>>, vector<16x64xf32>
      %max3A_94 = arith.constant 1.000000e+00 : f32
      %max3A_95 = vector.broadcast %max3A_94 : f32 to vector<16x64xf32>
      %max3A_96 = arith.maximumf %get3A_93, %max3A_95 : vector<16x64xf32>
      %div3A_97 = arith.divf %get3A_90, %max3A_96 : vector<16x64xf32>
      %swap3A_98 = arith.constant 0 : index
      %swap3A_99 = arith.constant 0 : index
      %swap3A_100 = vector.load %arg7[%swap3A_98, %swap3A_99] : memref<16x64xf32, #tpu.memory_space<vmem>>, vector<16x64xf32>
      tpu.vector_store %arg7[%swap3A_98, %swap3A_99], %div3A_97 {strides = array<i32>} : memref<16x64xf32, #tpu.memory_space<vmem>>, vector<16x64xf32>,
    } else {
    }
    return
  }
  func.func @transform_0(%arg0: i32) -> (i32, i32, i32) {
    %c0_i32 = arith.constant 0 : i32
    %c0_i32_0 = arith.constant 0 : i32
    %c0_i32_1 = arith.constant 0 : i32
    return %c0_i32, %arg0, %c0_i32_0 : i32, i32, i32
  }
  func.func @transform_1(%arg0: i32) -> (i32, i32) {
    %c0_i32 = arith.constant 0 : i32
    %c0_i32_0 = arith.constant 0 : i32
    return %c0_i32, %arg0 : i32, i32
  }
  func.func @transform_2(%arg0: i32) -> (i32, i32) {
    %c0_i32 = arith.constant 0 : i32
    %c0_i32_0 = arith.constant 0 : i32
    %c0_i32_1 = arith.constant 0 : i32
    return %c0_i32, %c0_i32_0 : i32, i32
  }
  func.func @transform_3(%arg0: i32) -> (i32, i32) {
    %c0_i32 = arith.constant 0 : i32
    %c0_i32_0 = arith.constant 0 : i32
    %c0_i32_1 = arith.constant 0 : i32
    return %c0_i32, %c0_i32_0 : i32, i32
  }
  func.func @transform_4(%arg0: i32) -> (i32, i32) {
    %c0_i32 = arith.constant 0 : i32
    %c0_i32_0 = arith.constant 0 : i32
    %c0_i32_1 = arith.constant 0 : i32
    return %c0_i32, %c0_i32_0 : i32, i32
  }
  func.func @transform_5(%arg0: i32) -> (i32, i32) {
    %c0_i32 = arith.constant 0 : i32
    %c0_i32_0 = arith.constant 0 : i32
    return %arg0, %c0_i32 : i32, i32
  }
  func.func @transform_6(%arg0: i32) -> (i32, i32) {
    %c0_i32 = arith.constant 0 : i32
    %c0_i32_0 = arith.constant 0 : i32
    %c0_i32_1 = arith.constant 0 : i32
    return %c0_i32, %c0_i32_0 : i32, i32
  }
}

</mosaic_0001>

<sc_bundles>
// kernel: kernel.11.cloned.1.call-start
scs
__scs_entry_jumppad:
0x0: {  	(pc) =	sbr.rel $0x88, $3  }
0x1: {  	(tag) =	ssettag $0x0;
	lr =	simm.s32 $0x1  }
0x2: {  	[smem:$0x3F96] =	sst lr;
	_ =	strace $0xD0000000  }
0x3: {  	_ = 	snop  }
0x4: {  	_ = 	snop  }
0x5: {  	_ = 	snop  }
0x6: {  	_ = 	snop  }
0x7: {  	_ = 	snop  }
__scs_overlays_trampoline_lowered:
0x8: {  	[smem:$0x3FA5] =	sst s0  }
0x9: {  	[smem:$0x3FA6] =	sst s1  }
0xa: {  	[smem:$0x3FA7] =	sst s2  }
0xb: {  	[smem:$0x3FA8] =	sst s3  }
0xc: {  	[smem:$0x3FA9] =	sst s4  }
0xd: {  	[smem:$0x3FAA] =	sst s5  }
0xe: {  	[smem:$0x3FAB] =	sst s6  }
0xf: {  	[smem:$0x3FAC] =	sst s7  }
0x10: {  	[smem:$0x3FAD] =	sst s8  }
0x11: {  	[smem:$0x3FAE] =	sst s9;
	s0 =	simm.s32 @!p0 $0x0  }
0x12: {  	s1 =	sld [smem:$0x3F94];
	s0 =	simm.s32 @p0 $0x1  }
0x13: {  	[smem:$0x3FAF] =	sst s0;
	s0 =	simm.s32 @!p1 $0x0  }
0x14: {  	s2 =	sld [smem:$0x3F93];
	s0 =	simm.s32 @p1 $0x1  }
0x15: {  	[smem:$0x3FB0] =	sst s0;
	s0 =	simm.s32 @!p2 $0x0  }
0x16: {  	s3 =	sld [smem:$0x3FDB];
	s0 =	simm.s32 @p2 $0x1  }
0x17: {  	s4 =	simm.s32 $0x1BF5;
	[smem:$0x3FB2] =	sst s0  }
0x18: {  	s0 =	sld [smem:$0x3F95];
	_ =	swait.ge [sflag:s4], $0x0  }
0x19: {  	s7 =	sld [smem:$0x3F96]  }
0x1a: {  	s8 =	sadd.s32 $0xFFFFE003, lr  }
0x1b: {  	s9 =	sadd.s32 $0xFFFFFEF7, lr;
	s5 =	simm.s32 $0xFFFFFFFF;
	p2 =	slt.u32 s8, $0xFFFFF086  }
0x1c: {  	p1 =	slt.u32 s9, $0xF7A;
	s5 =	simm.s32 @!p2 $0x0  }
0x1d: {  	s5 =	simm.s32 @p1 $0x1;
	p0 =	seq.s32 s7, s2  }
0x1e: {  	s7 =	smul.u32 @!p0 $0xF7A, s2;
	p2 =	seq.s32 @!p0 s5, $0x0  }
0x1f: {  	s9 =	smul.u32 $0xF7A, s1;
	s8 =	simm.s32 @!p0 $0x1BF5;
	p2 =	por !p2, p0  }
0x20: {  	[sflag:s8] =	ssyncset.s32 @!p0 $0xFFFFF086;
	s6 =	sadd.s32 @!p0 s3, s7;
	s7 =	simm.s32 @!p0 $0x108  }
0x21: {  	s3 =	sadd.s32 s3, s9;
	s6 =	sadd.s32 @!p0 $0x88, s6;
	s7 =	simm.s32 @p2 $0x1082  }
0x22: {  	[simem:s7], [sflag:s8] =	dma.local @!p0 [hbm:s6], $0xF7A  }
0x23: {  	s9 =	sor.u32 $0xD0000000, s2;
	s6 =	simm.s32 $0x108;
	_ =	swait.ge @!p0 [sflag:s8], $0x0  }
0x24: {  	s3 =	sadd.s32 $0x88, s3;
	s6 =	simm.s32 @!p1 $0x1082;
	[sflag:s4] =	ssyncset.s32 $0xFFFFF086  }
0x25: {  	[simem:s6], [sflag:s4] =	dma.local [hbm:s3], $0xF7A  }
0x26: {  	[smem:$0x3F96] =	sst s1;
	(tag) =	ssettag s2;
	_ =	strace s9  }
0x27: {  	s1 =	sld [smem:$0x3FA6]  }
0x28: {  	s2 =	sld [smem:$0x3FA7]  }
0x29: {  	s4 =	sld [smem:$0x3FA9]  }
0x2a: {  	p0 =	seq.s32 s5, $0x0;
	s5 =	sld [smem:$0x3FAA]  }
0x2b: {  	s6 =	sld [smem:$0x3FAB]  }
0x2c: {  	s7 =	sld [smem:$0x3FAC]  }
0x2d: {  	s3 =	simm.s32 $0x108;
	s8 =	sld [smem:$0x3FAD]  }
0x2e: {  	s3 =	simm.s32 @!p0 $0x1082;
	s9 =	sld [smem:$0x3FAE]  }
0x2f: {  	lr =	sadd.s32 s0, s3;
	s0 =	sld [smem:$0x3FA5]  }
0x30: {  	s3 =	sld [smem:$0x3FA8]  }
0x31: {  	[smem:$0x3FB1] =	sst s10  }
0x32: {  	s10 =	sld [smem:$0x3FAF];
	_ =	sdelay $0x3  }
0x33: {  	p0 =	seq.s32 s10, $0x1;
	s10 =	sld [smem:$0x3FB1];
	_ =	sdelay $0x3  }
0x34: {  	[smem:$0x3FB1] =	sst s10  }
0x35: {  	s10 =	sld [smem:$0x3FB0];
	_ =	sdelay $0x3  }
0x36: {  	p1 =	seq.s32 s10, $0x1;
	s10 =	sld [smem:$0x3FB1];
	_ =	sdelay $0x3  }
0x37: {  	[smem:$0x3FB1] =	sst s10  }
0x38: {  	s10 =	sld [smem:$0x3FB2]  }
0x39: {  	_ = 	snop;
	(pc) =	sbr.ind lr, $3  }
0x3a: {  	_ = 	snop  }
0x3b: {  	_ = 	snop  }
0x3c: {  	p2 =	seq.s32 s10, $0x1;
	s10 =	sld [smem:$0x3FB1]  }
0x3d: {  	_ =	shalt  }
0x3e: {  	_ =	shalt  }
0x3f: {  	_ =	shalt  }
0x40: {  	_ =	shalt  }
0x41: {  	_ =	shalt  }
0x42: {  	_ =	shalt  }
0x43: {  	_ =	shalt  }
0x44: {  	_ =	shalt  }
0x45: {  	_ =	shalt  }
0x46: {  	_ =	shalt  }
0x47: {  	_ =	shalt  }
0x48: {  	_ =	shalt  }
0x49: {  	_ =	shalt  }
0x4a: {  	_ =	shalt  }
0x4b: {  	_ =	shalt  }
0x4c: {  	_ =	shalt  }
0x4d: {  	_ =	shalt  }
0x4e: {  	_ =	shalt  }
0x4f: {  	_ =	shalt  }
0x50: {  	_ =	shalt  }
0x51: {  	_ =	shalt  }
0x52: {  	_ =	shalt  }
0x53: {  	_ =	shalt  }
0x54: {  	_ =	shalt  }
0x55: {  	_ =	shalt  }
0x56: {  	_ =	shalt  }
0x57: {  	_ =	shalt  }
0x58: {  	_ =	shalt  }
0x59: {  	_ =	shalt  }
0x5a: {  	_ =	shalt  }
0x5b: {  	_ =	shalt  }
0x5c: {  	_ =	shalt  }
0x5d: {  	_ =	shalt  }
0x5e: {  	_ =	shalt  }
0x5f: {  	_ =	shalt  }
0x60: {  	_ =	shalt  }
0x61: {  	_ =	shalt  }
0x62: {  	_ =	shalt  }
0x63: {  	_ =	shalt  }
0x64: {  	_ =	shalt  }
0x65: {  	_ =	shalt  }
0x66: {  	_ =	shalt  }
0x67: {  	_ =	shalt  }
0x68: {  	_ =	shalt  }
0x69: {  	_ =	shalt  }
0x6a: {  	_ =	shalt  }
0x6b: {  	_ =	shalt  }
0x6c: {  	_ =	shalt  }
0x6d: {  	_ =	shalt  }
0x6e: {  	_ =	shalt  }
0x6f: {  	_ =	shalt  }
0x70: {  	_ =	shalt  }
0x71: {  	_ =	shalt  }
0x72: {  	_ =	shalt  }
0x73: {  	_ =	shalt  }
0x74: {  	_ =	shalt  }
0x75: {  	_ =	shalt  }
0x76: {  	_ =	shalt  }
0x77: {  	_ =	shalt  }
0x78: {  	_ =	shalt  }
0x79: {  	_ =	shalt  }
0x7a: {  	_ =	shalt  }
0x7b: {  	_ =	shalt  }
0x7c: {  	_ =	shalt  }
0x7d: {  	_ =	shalt  }
0x7e: {  	_ =	shalt  }
0x7f: {  	_ =	shalt  }
0x80: {  	_ =	shalt  }
0x81: {  	_ =	shalt  }
0x82: {  	_ =	shalt  }
0x83: {  	_ =	shalt  }
0x84: {  	_ =	shalt  }
0x85: {  	_ =	shalt  }
0x86: {  	_ =	shalt  }
0x87: {  	_ =	shalt  }
.Lfunc_end0:
.L_simem_size_0:
called_computation.1_lowered:
.L_overlay_start_0:
0x88: {  	s2 =	sld [smem:$0x3FD9]  }
0x89: {  	s3 =	sld [smem:$0x3FFE];
	_ =	sdelay $0x1  }
0x8a: {  	s1 =	srdreg.scid  }
0x8b: {  	s0 =	sand.u32 $0x1, s1  }
0x8c: {  	s16 =	sshll.u32 s0, $0xA;
	s2 =	sadd.s32 s3, s2  }
0x8d: {  	s2 =	sadd.s32 s2, s16  }
0x8e: {  	[smem:$0x3FBD] =	sst s2  }
0x8f: {  	_ = 	snop  }
0x90: {  	(tm) =	ssettm $0x1  }
0x91: {  	s17 =	sld [smem:$0x3FFB];
	_ =	sdelay $0x3  }
0x92: {  	_ =	strace s17  }
0x93: {  	s2 =	sld [smem:$0x3FFC];
	_ =	sdelay $0x3  }
0x94: {  	_ =	strace s2  }
0x95: {  	s2 =	sld [smem:$0x3FFD];
	_ =	sdelay $0x3  }
0x96: {  	_ =	strace s2  }
0x97: {  	_ =	strace $0x8FFFFFFF  }
0x98: {  	s18 =	sld [smem:$0x3FDB];
	_ =	sdelay $0x1  }
0x99: {  	s19 =	simm.s32 $_scs_section_size  }
0x9a: {  	s4 =	simm.s32 $_size__tile_overlayer_lowered;
	s5 =	simm.s32 $_tile_overlayer_lowered  }
0x9b: {  	s22 =	simm.s32 $0x1BFF;
	s21 =	sshll.u32 s5, $0x1;
	s2 =	sadd.s32 s19, s18  }
0x9c: {  	s6 =	simm.s32 $0x0;
	s20 =	sshll.u32 s4, $0x1;
	s4 =	sadd.s32 s21, s2  }
0x9d: {  	[timem:s6], [sflag:s22] =	dma.local [hbm:s4], s20  }
0x9e: {  	_ =	swait.ge [sflag:s22], s20  }
0x9f: {  	s3 =	ssub.s32 $0x0, s20;
	[sflag:s22] =	ssyncset.done $0x0  }
0xa0: {  	[sflag:s22] =	ssyncadd.s32 s3;
	_ =	sdelay $0x1  }
0xa1: {  	s23 =	simm.s32 $0x1B8B  }
0xa2: {  	_ =	swait.ge [sflag:s23], $0x1  }
0xa3: {  	[sflag:s23] =	ssyncset.done $0x0  }
0xa4: {  	s25 =	simm.s32 $0x1B8E;
	s24 =	sld [smem:$0x3FFE];
	[sflag:s23] =	ssyncadd.s32 $0xFFFFFFFF  }
0xa5: {  	s26 =	simm.s32 $execute0_lowered;
	[smem:$0x3FD2] =	sst s25  }
0xa6: {  	s4 =	sshll.u32 s26, $0x1;
	_ =	strace $0x80000049;
	[dreg:$0x1] =	wrdreg $0xFFFFFFFF  }
0xa7: {  	s28 =	simm.s32 $_size_execute0_lowered;
	s2 =	sadd.s32 s2, s4;
	[dreg:$0x0] =	wrdreg $0x0  }
0xa8: {  	s4 =	sshll.u32 s28, $0x1;
	[dreg:$0x2] =	wrdreg s2  }
0xa9: {  	[dreg:$0x3] =	wrdreg s4  }
0xaa: {  	[dreg:$0x4] =	wrdreg $0xC0  }
0xab: {  	_ =	task [dreg:s6], $0x5FFFF  }
0xac: {  	[dreg:$0x1] =	wrdreg $0xFFFFFFFF  }
0xad: {  	[dreg:$0x0] =	wrdreg $0x60  }
0xae: {  	[dreg:$0x2] =	wrdreg s24  }
0xaf: {  	[dreg:$0x3] =	wrdreg $0x0  }
0xb0: {  	[dreg:$0x4] =	wrdreg $0x9  }
0xb1: {  	_ =	task.clear_ibuf [dreg:s6], $0x5FFFF;
	_ =	strace $0x90000049  }
0xb2: {  	s29 =	simm.s32 $0x9;
	_ =	strace $0x8000004B  }
0xb3: {  	_ =	swait.ge [sflag:s29], $0x1  }
0xb4: {  	[sflag:s29] =	ssyncadd.s32 $0xFFFFFFFF  }
0xb5: {  	_ =	strace $0x9000004B  }
0xb6: {  	_ =	sfence  }
0xb7: {  	s30 =	sld [smem:$0x0];
	_ =	sdelay $0x2  }
0xb8: {  	s31 =	sshll.u32 s1, $0xD;
	s1 =	sshrl.u32 s1, $0x2  }
0xb9: {  	s3 =	sand.u32 $0x4000, s31;
	s1 =	sadd.s32 s1, s30  }
0xba: {  	s0 =	sor.u32 s3, s0;
	s1 =	sshll.u32 s1, $0x11  }
0xbb: {  	s0 =	sor.u32 s1, s0  }
0xbc: {  	s0 =	sadd.s32 $0x8F2B, s0  }
0xbd: {  	[sflag:s0] =	ssyncadd.remote.s32 $0x1  }
0xbe: {  	_ =	sfence.sel $0xFFFF  }
0xbf: {  	[dreg:$0x0] =	wrdreg $0xFFFFFFFF;
	(pc) =	sbr.abs _section_cstart, $3  }
0xc0: {  	[dreg:$0x1] =	wrdreg $0xFFFFFFFF  }
0xc1: {  	_ =	task.clear_ibuf [dreg:s6], $0x2FFFF;
	_ =	strace $0x9FFFFFFF  }
0xc2: {  	(tm) =	ssettm $0x7FFFFFFF  }
0xc3: {  	_ =	shalt  }
tec
execute0_lowered:
.L_overlay_start_1:
0x0: {  	(tag) =	ssettag $0x1  }
0x1: {  	s0 =	srdreg.scid;
	s6 =	rddreg [dreg:$0x0]  }
0x2: {  	s2 =	rddreg [dreg:$0x1];
	s3 =	simm.s32 $0x0;
	s15 =	simm.s32 $0x1FCC0  }
0x3: {  	s16 =	simm.s32 $0x80;
	s17 =	simm.s32 $0x17CC0;
	s18 =	simm.s32 $0x1FD40  }
0x4: {  	s19 =	simm.s32 $0x1;
	s20 =	simm.s32 $0x1BCC0;
	s21 =	simm.s32 $0x2  }
0x5: {  	s22 =	simm.s32 $0x17B40;
	s23 =	simm.s32 $0x17BC0;
	s24 =	simm.s32 $0x17C40  }
0x6: {  	s25 =	simm.s32 $0x0;
	s5 =	sand.u32 $0x1, s0;
	s0 =	stileid.u32  }
0x7: {  	[smem:$0x7FF] =	sst s3;
	s1 =	sshll.u32 s5, $0x4;
	s8 =	smul.u32 $0x14000, s0  }
0x8: {  	s9 =	smul.u32 $0x140000, s5;
	s5 =	ssub.s32 $0x2, s5;
	s31 =	sshll.u32 s0, $0x6  }
0x9: {  	s4 =	sor.u32 s0, s1;
	s1 =	rddreg [dreg:$0x2];
	_ =	strace $0x8000004A  }
0xa: {  	s30 =	sshrl.u32 s5, $0x1;
	s7 =	smul.u32 $0x2880, s4;
	s4 =	sadd.s32 $0x27E00, s6  }
0xb: {  	v0 =	vlaneseq.u32;
	s28 =	sadd.s32 s8, s9;
	s29 =	sshrl.u32 s8, $0x3;
	s13 =	ssub.s32 s5, s30  }
0xc: {  	v0 =	vmul.u32 $0x2, v0;
	s14 =	sadd.s32 s8, s2;
	s10 =	sshrl.u32 s7, $0x4;
	s7 =	sshrl.u32 s7, $0x3  }
0xd: {  	s9 =	sadd.s32 s29, s6;
	s11 =	sadd.s32 s7, s6;
	s7 =	sshrl.u32 s28, $0x3  }
0xe: {  	v7 =	vor.u32 $0x61, v0;
	s5 =	sadd.s32 $0x4FE00, s9;
	s10 =	sadd.s32 s10, s6;
	s12 =	sadd.s32 s7, s6  }
0xf: {  	s6 =	sor.u32 $0x1C03, s31;
	s7 =	sadd.s32 $0x22C00, s10;
	s8 =	sadd.s32 $0x2800, s11  }
0x10: {  	v1 =	vor.u32 $0x1, v0;
	v2 =	vor.u32 $0x20, v0;
	v3 =	vor.u32 $0x21, v0;
	s10 =	smax.u32 s13, $0x1;
	s11 =	sshrl.u32 s14, $0x3;
	s13 =	simm.s32 $0x14000  }
0x11: {  	v4 =	vor.u32 $0x40, v0;
	v5 =	vor.u32 $0x41, v0;
	v6 =	vor.u32 $0x60, v0;
	s14 =	simm.s32 $0x15440;
	s9 =	sadd.s32 $0x77E00, s12;
	s12 =	simm.s32 $0x3  }
.LBB2_1:
0x12: {  	[spmem:s11], [sflag:s6] =	dma.local [hbm:s5], $0x2800  }
0x13: {  	_ =	swait.ge [sflag:s12], $0x2800  }
0x14: {  	[sflag:s12] =	ssyncset.done $0x0  }
0x15: {  	[sflag:s12] =	ssyncadd.s32 $0xFFFFD800  }
0x16: {  	[tilespmem:s13], [sflag:$0x3] =	stream.linear.gather [hbm4b:s7+s3], $0x1440, $0x38;
	[tilespmem:$0x1FDC0] =	vst v63  }
0x17: {  	_ =	swait.ge [sflag:s12], $0x1440  }
0x18: {  	[sflag:s12] =	ssyncset.done $0x0  }
0x19: {  	[sflag:s12] =	ssyncadd.s32 $0xFFFFEBC0  }
0x1a: {  	[tilespmem:s14], [sflag:$0x3] =	stream.linear.gather [hbm4b:s8+s3], $0x2880, $0x38;
	[tilespmem:$0x1FDC0] =	vst v63  }
0x1b: {  	_ =	swait.ge [sflag:s12], $0x2880  }
0x1c: {  	[sflag:s12] =	ssyncset.done $0x0  }
0x1d: {  	[sflag:s12] =	ssyncadd.s32 $0xFFFFD780  }
0x1e: {  	[bflag:$0x0] =	sbarrier.arrive $0xFFFF  }
0x1f: {  	v8 =	vld [tilespmem:$0x14000];
	_ =	sdelay $0x4  }
0x20: {  	v9 =	vand.u32 $0xFFFF, v8  }
0x21: {  	v8 =	vshrl.u32 v8, $0x10;
	[tilespmem:v0+s15+$0x0] =	vst.idx.msk $0xffff, v9  }
0x22: {  	[tilespmem:v1+s15+$0x0] =	vst.idx.msk $0xffff, v8  }
0x23: {  	v8 =	vld [tilespmem:$0x14010];
	_ =	sdelay $0x4  }
0x24: {  	v9 =	vand.u32 $0xFFFF, v8  }
0x25: {  	v8 =	vshrl.u32 v8, $0x10;
	[tilespmem:v2+s15+$0x0] =	vst.idx.msk $0xffff, v9  }
0x26: {  	[tilespmem:v3+s15+$0x0] =	vst.idx.msk $0xffff, v8  }
0x27: {  	v8 =	vld [tilespmem:$0x14020];
	_ =	sdelay $0x4  }
0x28: {  	v9 =	vand.u32 $0xFFFF, v8  }
0x29: {  	v8 =	vshrl.u32 v8, $0x10;
	[tilespmem:v4+s15+$0x0] =	vst.idx.msk $0xffff, v9  }
0x2a: {  	[tilespmem:v5+s15+$0x0] =	vst.idx.msk $0xffff, v8  }
0x2b: {  	v8 =	vld [tilespmem:$0x14030];
	_ =	sdelay $0x4  }
0x2c: {  	v9 =	vand.u32 $0xFFFF, v8  }
0x2d: {  	v8 =	vshrl.u32 v8, $0x10;
	[tilespmem:v6+s15+$0x0] =	vst.idx.msk $0xffff, v9  }
0x2e: {  	[tilespmem:v7+s15+$0x0] =	vst.idx.msk $0xffff, v8  }
0x2f: {  	[tilespmem:s17], [sflag:$0x1] =	stream.indirect.gather [hbm4b:s4+s16], $0x80, s15, s16, $0xb8;
	[tilespmem:$0x1FDC0] =	vst v63  }
0x30: {  	v8 =	vld [tilespmem:$0x14040];
	_ =	sdelay $0x4  }
0x31: {  	v9 =	vand.u32 $0xFFFF, v8  }
0x32: {  	v8 =	vshrl.u32 v8, $0x10;
	[tilespmem:v0+s18+$0x0] =	vst.idx.msk $0xffff, v9  }
0x33: {  	[tilespmem:v1+s18+$0x0] =	vst.idx.msk $0xffff, v8  }
0x34: {  	v8 =	vld [tilespmem:$0x14050];
	_ =	sdelay $0x4  }
0x35: {  	v9 =	vand.u32 $0xFFFF, v8  }
0x36: {  	v8 =	vshrl.u32 v8, $0x10;
	[tilespmem:v2+s18+$0x0] =	vst.idx.msk $0xffff, v9  }
0x37: {  	[tilespmem:v3+s18+$0x0] =	vst.idx.msk $0xffff, v8  }
0x38: {  	v8 =	vld [tilespmem:$0x14060];
	_ =	sdelay $0x4  }
0x39: {  	v9 =	vand.u32 $0xFFFF, v8  }
0x3a: {  	v8 =	vshrl.u32 v8, $0x10;
	[tilespmem:v4+s18+$0x0] =	vst.idx.msk $0xffff, v9  }
0x3b: {  	[tilespmem:v5+s18+$0x0] =	vst.idx.msk $0xffff, v8  }
0x3c: {  	v8 =	vld [tilespmem:$0x14070];
	_ =	sdelay $0x4  }
0x3d: {  	v9 =	vand.u32 $0xFFFF, v8  }
0x3e: {  	v8 =	vshrl.u32 v8, $0x10;
	[tilespmem:v6+s18+$0x0] =	vst.idx.msk $0xffff, v9  }
0x3f: {  	[tilespmem:v7+s18+$0x0] =	vst.idx.msk $0xffff, v8  }
0x40: {  	_ =	swait.ge [sflag:s19], $0x4000  }
0x41: {  	[sflag:s19] =	ssyncset.done $0x0  }
0x42: {  	[sflag:s19] =	ssyncadd.s32 $0xFFFFC000  }
0x43: {  	[tilespmem:s20], [sflag:$0x2] =	stream.indirect.gather [hbm4b:s4+s16], $0x80, s18, s16, $0xb8;
	[tilespmem:$0x1FDC0] =	vst v63  }
0x44: {  	s26 =	simm.s32 $0x15440  }
0x45: {  	[spmem:s2] =	stream.indirect.scatter.add.f32 [tilespmem:s17], [sflag:$0x3], $0x80, s26, s16, $0xb8;
	[tilespmem:$0x1FDC0] =	vst v63  }
0x46: {  	_ =	swait.ge [sflag:s12], $0x4000  }
0x47: {  	[sflag:s12] =	ssyncset.done $0x0  }
0x48: {  	s26 =	simm.s32 $0x140F0;
	[sflag:s12] =	ssyncadd.s32 $0xFFFFC000  }
0x49: {  	v8 =	vld [tilespmem:s26+$0xFFFFFF90];
	_ =	sdelay $0x4  }
0x4a: {  	v9 =	vand.u32 $0xFFFF, v8  }
0x4b: {  	v8 =	vshrl.u32 v8, $0x10;
	[tilespmem:v0+s15+$0x0] =	vst.idx.msk $0xffff, v9  }
0x4c: {  	[tilespmem:v1+s15+$0x0] =	vst.idx.msk $0xffff, v8  }
0x4d: {  	v8 =	vld [tilespmem:s26+$0xFFFFFFA0];
	_ =	sdelay $0x4  }
0x4e: {  	v9 =	vand.u32 $0xFFFF, v8  }
0x4f: {  	v8 =	vshrl.u32 v8, $0x10;
	[tilespmem:v2+s15+$0x0] =	vst.idx.msk $0xffff, v9  }
0x50: {  	[tilespmem:v3+s15+$0x0] =	vst.idx.msk $0xffff, v8  }
0x51: {  	v8 =	vld [tilespmem:s26+$0xFFFFFFB0];
	_ =	sdelay $0x4  }
0x52: {  	v9 =	vand.u32 $0xFFFF, v8  }
0x53: {  	v8 =	vshrl.u32 v8, $0x10;
	[tilespmem:v4+s15+$0x0] =	vst.idx.msk $0xffff, v9  }
0x54: {  	[tilespmem:v5+s15+$0x0] =	vst.idx.msk $0xffff, v8  }
0x55: {  	v8 =	vld [tilespmem:s26+$0xFFFFFFC0];
	_ =	sdelay $0x4  }
0x56: {  	v9 =	vand.u32 $0xFFFF, v8  }
0x57: {  	v8 =	vshrl.u32 v8, $0x10;
	[tilespmem:v6+s15+$0x0] =	vst.idx.msk $0xffff, v9  }
0x58: {  	[tilespmem:v7+s15+$0x0] =	vst.idx.msk $0xffff, v8  }
0x59: {  	_ =	swait.ge [sflag:s21], $0x4000  }
0x5a: {  	[sflag:s21] =	ssyncset.done $0x0  }
0x5b: {  	[sflag:s21] =	ssyncadd.s32 $0xFFFFC000  }
0x5c: {  	[tilespmem:s17], [sflag:$0x1] =	stream.indirect.gather [hbm4b:s4+s16], $0x80, s15, s16, $0xb8;
	[tilespmem:$0x1FDC0] =	vst v63  }
0x5d: {  	s28 =	simm.s32 $0x154C0  }
0x5e: {  	[spmem:s2] =	stream.indirect.scatter.add.f32 [tilespmem:s20], [sflag:$0x3], $0x80, s28, s16, $0xb8;
	[tilespmem:$0x1FDC0] =	vst v63  }
0x5f: {  	_ =	swait.ge [sflag:s12], $0x4000  }
0x60: {  	[sflag:s12] =	ssyncset.done $0x0  }
0x61: {  	[sflag:s12] =	ssyncadd.s32 $0xFFFFC000  }
0x62: {  	v8 =	vld [tilespmem:s26+$0xFFFFFFD0];
	_ =	sdelay $0x4  }
0x63: {  	v9 =	vand.u32 $0xFFFF, v8  }
0x64: {  	v8 =	vshrl.u32 v8, $0x10;
	[tilespmem:v0+s18+$0x0] =	vst.idx.msk $0xffff, v9  }
0x65: {  	[tilespmem:v1+s18+$0x0] =	vst.idx.msk $0xffff, v8  }
0x66: {  	v8 =	vld [tilespmem:s26+$0xFFFFFFE0];
	_ =	sdelay $0x4  }
0x67: {  	v9 =	vand.u32 $0xFFFF, v8  }
0x68: {  	v8 =	vshrl.u32 v8, $0x10;
	[tilespmem:v2+s18+$0x0] =	vst.idx.msk $0xffff, v9  }
0x69: {  	[tilespmem:v3+s18+$0x0] =	vst.idx.msk $0xffff, v8  }
0x6a: {  	v8 =	vld [tilespmem:s26+$0xFFFFFFF0];
	_ =	sdelay $0x4  }
0x6b: {  	v9 =	vand.u32 $0xFFFF, v8  }
0x6c: {  	v8 =	vshrl.u32 v8, $0x10;
	[tilespmem:v4+s18+$0x0] =	vst.idx.msk $0xffff, v9  }
0x6d: {  	[tilespmem:v5+s18+$0x0] =	vst.idx.msk $0xffff, v8  }
0x6e: {  	v8 =	vld [tilespmem:s26+$0x0];
	_ =	sdelay $0x4  }
0x6f: {  	v9 =	vand.u32 $0xFFFF, v8  }
0x70: {  	s28 =	simm.s32 $0x400;
	v8 =	vshrl.u32 v8, $0x10;
	[tilespmem:v6+s18+$0x0] =	vst.idx.msk $0xffff, v9  }
.LBB2_2:
0x71: {  	p0 =	sne.s32 s28, $0x9800  }
0x72: {  	[tilespmem:v7+s18+$0x0] =	vst.idx.msk $0xffff, v8;
	s26 =	sadd.s32 $0x80, s26;
	s29 =	smov.u32 s28;
	s28 =	sadd.s32 $0x400, s28  }
0x73: {  	_ =	swait.ge [sflag:s19], $0x4000  }
0x74: {  	[sflag:s19] =	ssyncset.done $0x0  }
0x75: {  	s29 =	sshra.s32 s29, $0x2;
	[sflag:s19] =	ssyncadd.s32 $0xFFFFC000  }
0x76: {  	[tilespmem:s20], [sflag:$0x2] =	stream.indirect.gather [hbm4b:s4+s16], $0x80, s18, s16, $0xb8;
	[tilespmem:$0x1FDC0] =	vst v63  }
0x77: {  	s30 =	sadd.s32 $0x15440, s29  }
0x78: {  	[spmem:s2] =	stream.indirect.scatter.add.f32 [tilespmem:s17], [sflag:$0x3], $0x80, s30, s16, $0xb8;
	[tilespmem:$0x1FDC0] =	vst v63  }
0x79: {  	_ =	swait.ge [sflag:s12], $0x4000  }
0x7a: {  	[sflag:s12] =	ssyncset.done $0x0  }
0x7b: {  	[sflag:s12] =	ssyncadd.s32 $0xFFFFC000  }
0x7c: {  	v8 =	vld [tilespmem:s26+$0xFFFFFF90];
	_ =	sdelay $0x4  }
0x7d: {  	v9 =	vand.u32 $0xFFFF, v8  }
0x7e: {  	v8 =	vshrl.u32 v8, $0x10;
	[tilespmem:v0+s15+$0x0] =	vst.idx.msk $0xffff, v9  }
0x7f: {  	[tilespmem:v1+s15+$0x0] =	vst.idx.msk $0xffff, v8  }
0x80: {  	v8 =	vld [tilespmem:s26+$0xFFFFFFA0];
	_ =	sdelay $0x4  }
0x81: {  	v9 =	vand.u32 $0xFFFF, v8  }
0x82: {  	v8 =	vshrl.u32 v8, $0x10;
	[tilespmem:v2+s15+$0x0] =	vst.idx.msk $0xffff, v9  }
0x83: {  	[tilespmem:v3+s15+$0x0] =	vst.idx.msk $0xffff, v8  }
0x84: {  	v8 =	vld [tilespmem:s26+$0xFFFFFFB0];
	_ =	sdelay $0x4  }
0x85: {  	v9 =	vand.u32 $0xFFFF, v8  }
0x86: {  	v8 =	vshrl.u32 v8, $0x10;
	[tilespmem:v4+s15+$0x0] =	vst.idx.msk $0xffff, v9  }
0x87: {  	[tilespmem:v5+s15+$0x0] =	vst.idx.msk $0xffff, v8  }
0x88: {  	v8 =	vld [tilespmem:s26+$0xFFFFFFC0];
	_ =	sdelay $0x4  }
0x89: {  	v9 =	vand.u32 $0xFFFF, v8  }
0x8a: {  	v8 =	vshrl.u32 v8, $0x10;
	[tilespmem:v6+s15+$0x0] =	vst.idx.msk $0xffff, v9  }
0x8b: {  	[tilespmem:v7+s15+$0x0] =	vst.idx.msk $0xffff, v8  }
0x8c: {  	_ =	swait.ge [sflag:s21], $0x4000  }
0x8d: {  	[sflag:s21] =	ssyncset.done $0x0  }
0x8e: {  	[sflag:s21] =	ssyncadd.s32 $0xFFFFC000  }
0x8f: {  	[tilespmem:s17], [sflag:$0x1] =	stream.indirect.gather [hbm4b:s4+s16], $0x80, s15, s16, $0xb8;
	[tilespmem:$0x1FDC0] =	vst v63  }
0x90: {  	s29 =	sadd.s32 $0x154C0, s29  }
0x91: {  	[spmem:s2] =	stream.indirect.scatter.add.f32 [tilespmem:s20], [sflag:$0x3], $0x80, s29, s16, $0xb8;
	[tilespmem:$0x1FDC0] =	vst v63  }
0x92: {  	_ =	swait.ge [sflag:s12], $0x4000  }
0x93: {  	[sflag:s12] =	ssyncset.done $0x0  }
0x94: {  	[sflag:s12] =	ssyncadd.s32 $0xFFFFC000  }
0x95: {  	v8 =	vld [tilespmem:s26+$0xFFFFFFD0];
	_ =	sdelay $0x4  }
0x96: {  	v9 =	vand.u32 $0xFFFF, v8  }
0x97: {  	v8 =	vshrl.u32 v8, $0x10;
	[tilespmem:v0+s18+$0x0] =	vst.idx.msk $0xffff, v9  }
0x98: {  	[tilespmem:v1+s18+$0x0] =	vst.idx.msk $0xffff, v8  }
0x99: {  	v8 =	vld [tilespmem:s26+$0xFFFFFFE0];
	_ =	sdelay $0x4  }
0x9a: {  	v9 =	vand.u32 $0xFFFF, v8  }
0x9b: {  	v8 =	vshrl.u32 v8, $0x10;
	[tilespmem:v2+s18+$0x0] =	vst.idx.msk $0xffff, v9  }
0x9c: {  	[tilespmem:v3+s18+$0x0] =	vst.idx.msk $0xffff, v8  }
0x9d: {  	v8 =	vld [tilespmem:s26+$0xFFFFFFF0];
	_ =	sdelay $0x4  }
0x9e: {  	v9 =	vand.u32 $0xFFFF, v8  }
0x9f: {  	v8 =	vshrl.u32 v8, $0x10;
	[tilespmem:v4+s18+$0x0] =	vst.idx.msk $0xffff, v9  }
0xa0: {  	[tilespmem:v5+s18+$0x0] =	vst.idx.msk $0xffff, v8  }
0xa1: {  	v8 =	vld [tilespmem:s26+$0x0];
	_ =	sdelay $0x1  }
.Ltmp0:
0xa2: {  	(pc) =	sbr.rel @p0 .LBB2_2-.Ltmp0, $3  }
0xa3: {  	_ =	sdelay $0x1  }
0xa4: {  	v9 =	vand.u32 $0xFFFF, v8  }
0xa5: {  	v8 =	vshrl.u32 v8, $0x10;
	[tilespmem:v6+s18+$0x0] =	vst.idx.msk $0xffff, v9  }
0xa6: {  	_ =	sdelay $0x3  }
0xa7: {  	[tilespmem:v7+s18+$0x0] =	vst.idx.msk $0xffff, v8  }
0xa8: {  	_ =	swait.ge [sflag:s19], $0x4000  }
0xa9: {  	[sflag:s19] =	ssyncset.done $0x0  }
0xaa: {  	[sflag:s19] =	ssyncadd.s32 $0xFFFFC000  }
0xab: {  	[tilespmem:s20], [sflag:$0x2] =	stream.indirect.gather [hbm4b:s4+s16], $0x80, s18, s16, $0xb8;
	[tilespmem:$0x1FDC0] =	vst v63  }
0xac: {  	_ = 	snop  }
0xad: {  	[spmem:s2] =	stream.indirect.scatter.add.f32 [tilespmem:s17], [sflag:$0x3], $0x80, s22, s16, $0xb8;
	[tilespmem:$0x1FDC0] =	vst v63  }
0xae: {  	_ =	swait.ge [sflag:s12], $0x4000  }
0xaf: {  	[sflag:s12] =	ssyncset.done $0x0  }
0xb0: {  	[sflag:s12] =	ssyncadd.s32 $0xFFFFC000  }
0xb1: {  	v8 =	vld [tilespmem:$0x15400];
	_ =	sdelay $0x4  }
0xb2: {  	v9 =	vand.u32 $0xFFFF, v8  }
0xb3: {  	v8 =	vshrl.u32 v8, $0x10;
	[tilespmem:v0+s15+$0x0] =	vst.idx.msk $0xffff, v9  }
0xb4: {  	[tilespmem:v1+s15+$0x0] =	vst.idx.msk $0xffff, v8  }
0xb5: {  	v8 =	vld [tilespmem:$0x15410];
	_ =	sdelay $0x4  }
0xb6: {  	v61 =	vand.u32 $0xFFFF, v8  }
0xb7: {  	v8 =	vshrl.u32 v8, $0x10;
	[tilespmem:v2+s15+$0x0] =	vst.idx.msk $0xffff, v61  }
0xb8: {  	[tilespmem:v3+s15+$0x0] =	vst.idx.msk $0xffff, v8  }
0xb9: {  	v8 =	vld [tilespmem:$0x15420];
	_ =	sdelay $0x4  }
0xba: {  	v62 =	vand.u32 $0xFFFF, v8  }
0xbb: {  	v8 =	vshrl.u32 v8, $0x10;
	[tilespmem:v4+s15+$0x0] =	vst.idx.msk $0xffff, v62  }
0xbc: {  	[tilespmem:v5+s15+$0x0] =	vst.idx.msk $0xffff, v8  }
0xbd: {  	v8 =	vld [tilespmem:$0x15430];
	_ =	sdelay $0x4  }
0xbe: {  	v63 =	vand.u32 $0xFFFF, v8  }
0xbf: {  	v8 =	vshrl.u32 v8, $0x10;
	[tilespmem:v6+s15+$0x0] =	vst.idx.msk $0xffff, v63  }
0xc0: {  	[tilespmem:v7+s15+$0x0] =	vst.idx.msk $0xffff, v8  }
0xc1: {  	_ =	swait.ge [sflag:s21], $0x4000  }
0xc2: {  	[sflag:s21] =	ssyncset.done $0x0  }
0xc3: {  	[sflag:s21] =	ssyncadd.s32 $0xFFFFC000  }
0xc4: {  	[tilespmem:s17], [sflag:$0x1] =	stream.indirect.gather [hbm4b:s4+s16], $0x80, s15, s16, $0xb8;
	[tilespmem:$0x1FDC0] =	vst v63  }
0xc5: {  	_ = 	snop  }
0xc6: {  	[spmem:s2] =	stream.indirect.scatter.add.f32 [tilespmem:s20], [sflag:$0x3], $0x80, s23, s16, $0xb8;
	[tilespmem:$0x1FDC0] =	vst v63  }
0xc7: {  	_ =	swait.ge [sflag:s12], $0x4000  }
0xc8: {  	[sflag:s12] =	ssyncset.done $0x0  }
0xc9: {  	[sflag:s12] =	ssyncadd.s32 $0xFFFFC000  }
0xca: {  	_ =	swait.ge [sflag:s19], $0x4000  }
0xcb: {  	[sflag:s19] =	ssyncset.done $0x0  }
0xcc: {  	[sflag:s19] =	ssyncadd.s32 $0xFFFFC000  }
0xcd: {  	[spmem:s2] =	stream.indirect.scatter.add.f32 [tilespmem:s17], [sflag:$0x3], $0x80, s24, s16, $0xb8;
	[tilespmem:$0x1FDC0] =	vst v63  }
0xce: {  	_ =	swait.ge [sflag:s12], $0x4000  }
0xcf: {  	s25 =	sadd.s32 $0x1, s25;
	[sflag:s12] =	ssyncset.done $0x0  }
0xd0: {  	p0 =	sne.s32 s25, s10;
	[sflag:s12] =	ssyncadd.s32 $0xFFFFC000  }
.Ltmp1:
0xd1: {  	[bflag:$0x0] =	sbarrier.arrive $0xFFFF;
	(pc) =	sbr.rel @p0 .LBB2_1-.Ltmp1, $4  }
0xd2: {  	[hbm:s9], [sflag:s6] =	dma.local [spmem:s11], $0x2800  }
0xd3: {  	_ =	swait.ge [sflag:s12], $0x2800  }
0xd4: {  	[sflag:s12] =	ssyncset.done $0x0  }
0xd5: {  	[sflag:s12] =	ssyncadd.s32 $0xFFFFD800  }
0xd6: {  	_ =	sfence.sel $0x180000  }
0xd7: {  	[bflag:$0x0] =	sbarrier.arrive $0xFFFF  }
0xd8: {  	p0 =	sne.s32 s0, $0x0;
	_ =	strace $0x9000004A  }
0xd9: {  	s0 =	sadd.s32 @!p0 $0x100000, s1;
	[bflag:$0x2] =	sbarrier.arrive $0xFFFF  }
0xda: {  	[sflag:s0] =	ssyncadd.tile.s32 @!p0 $0x1;
	_ =	shalt  }
.Lfunc_end2:
_tile_overlayer_lowered:
.L_overlay_start_2:
0xdb: {  	(tag) =	ssettag $0x2  }
0xdc: {  	s0 =	rddreg [dreg:$0x0];
	s2 =	stileid.u32  }
0xdd: {  	s1 =	rddreg [dreg:$0x1];
	p0 =	sne.s32 s2, $0x0  }
0xde: {  	s3 =	rddreg [dreg:$0x2];
	[bflag:$0x3] =	sbarrier.arrive $0xFFFF;
	s2 =	simm.s32 @!p0 $0x1C03  }
0xdf: {  	[timem:s3], [sflag:s2] =	dma.local @!p0 [hbm:s0], s1  }
0xe0: {  	s0 =	simm.s32 @!p0 $0x3  }
0xe1: {  	_ =	swait.ge @!p0 [sflag:s0], s1  }
0xe2: {  	s1 =	ssub.s32 @!p0 $0x0, s1;
	[sflag:s0] =	ssyncset.done @!p0 $0x0  }
0xe3: {  	[sflag:s0] =	ssyncadd.s32 @!p0 s1  }
0xe4: {  	[bflag:$0x3] =	sbarrier.arrive $0xFFFF  }
0xe5: {  	_ =	shalt  }

// kernel: kernel.14.cloned.1.call-start
scs
__scs_entry_jumppad:
0x0: {  	(pc) =	sbr.rel $0x88, $3  }
0x1: {  	(tag) =	ssettag $0x0;
	lr =	simm.s32 $0x1  }
0x2: {  	[smem:$0x3F96] =	sst lr;
	_ =	strace $0xD0000000  }
0x3: {  	_ = 	snop  }
0x4: {  	_ = 	snop  }
0x5: {  	_ = 	snop  }
0x6: {  	_ = 	snop  }
0x7: {  	_ = 	snop  }
__scs_overlays_trampoline_lowered:
0x8: {  	[smem:$0x3FA5] =	sst s0  }
0x9: {  	[smem:$0x3FA6] =	sst s1  }
0xa: {  	[smem:$0x3FA7] =	sst s2  }
0xb: {  	[smem:$0x3FA8] =	sst s3  }
0xc: {  	[smem:$0x3FA9] =	sst s4  }
0xd: {  	[smem:$0x3FAA] =	sst s5  }
0xe: {  	[smem:$0x3FAB] =	sst s6  }
0xf: {  	[smem:$0x3FAC] =	sst s7  }
0x10: {  	[smem:$0x3FAD] =	sst s8  }
0x11: {  	[smem:$0x3FAE] =	sst s9;
	s0 =	simm.s32 @!p0 $0x0  }
0x12: {  	s1 =	sld [smem:$0x3F94];
	s0 =	simm.s32 @p0 $0x1  }
0x13: {  	[smem:$0x3FAF] =	sst s0;
	s0 =	simm.s32 @!p1 $0x0  }
0x14: {  	s2 =	sld [smem:$0x3F93];
	s0 =	simm.s32 @p1 $0x1  }
0x15: {  	[smem:$0x3FB0] =	sst s0;
	s0 =	simm.s32 @!p2 $0x0  }
0x16: {  	s3 =	sld [smem:$0x3FDB];
	s0 =	simm.s32 @p2 $0x1  }
0x17: {  	s4 =	simm.s32 $0x1BF5;
	[smem:$0x3FB2] =	sst s0  }
0x18: {  	s0 =	sld [smem:$0x3F95];
	_ =	swait.ge [sflag:s4], $0x0  }
0x19: {  	s7 =	sld [smem:$0x3F96]  }
0x1a: {  	s8 =	sadd.s32 $0xFFFFE003, lr  }
0x1b: {  	s9 =	sadd.s32 $0xFFFFFEF7, lr;
	s5 =	simm.s32 $0xFFFFFFFF;
	p2 =	slt.u32 s8, $0xFFFFF086  }
0x1c: {  	p1 =	slt.u32 s9, $0xF7A;
	s5 =	simm.s32 @!p2 $0x0  }
0x1d: {  	s5 =	simm.s32 @p1 $0x1;
	p0 =	seq.s32 s7, s2  }
0x1e: {  	s7 =	smul.u32 @!p0 $0xF7A, s2;
	p2 =	seq.s32 @!p0 s5, $0x0  }
0x1f: {  	s9 =	smul.u32 $0xF7A, s1;
	s8 =	simm.s32 @!p0 $0x1BF5;
	p2 =	por !p2, p0  }
0x20: {  	[sflag:s8] =	ssyncset.s32 @!p0 $0xFFFFF086;
	s6 =	sadd.s32 @!p0 s3, s7;
	s7 =	simm.s32 @!p0 $0x108  }
0x21: {  	s3 =	sadd.s32 s3, s9;
	s6 =	sadd.s32 @!p0 $0x88, s6;
	s7 =	simm.s32 @p2 $0x1082  }
0x22: {  	[simem:s7], [sflag:s8] =	dma.local @!p0 [hbm:s6], $0xF7A  }
0x23: {  	s9 =	sor.u32 $0xD0000000, s2;
	s6 =	simm.s32 $0x108;
	_ =	swait.ge @!p0 [sflag:s8], $0x0  }
0x24: {  	s3 =	sadd.s32 $0x88, s3;
	s6 =	simm.s32 @!p1 $0x1082;
	[sflag:s4] =	ssyncset.s32 $0xFFFFF086  }
0x25: {  	[simem:s6], [sflag:s4] =	dma.local [hbm:s3], $0xF7A  }
0x26: {  	[smem:$0x3F96] =	sst s1;
	(tag) =	ssettag s2;
	_ =	strace s9  }
0x27: {  	s1 =	sld [smem:$0x3FA6]  }
0x28: {  	s2 =	sld [smem:$0x3FA7]  }
0x29: {  	s4 =	sld [smem:$0x3FA9]  }
0x2a: {  	p0 =	seq.s32 s5, $0x0;
	s5 =	sld [smem:$0x3FAA]  }
0x2b: {  	s6 =	sld [smem:$0x3FAB]  }
0x2c: {  	s7 =	sld [smem:$0x3FAC]  }
0x2d: {  	s3 =	simm.s32 $0x108;
	s8 =	sld [smem:$0x3FAD]  }
0x2e: {  	s3 =	simm.s32 @!p0 $0x1082;
	s9 =	sld [smem:$0x3FAE]  }
0x2f: {  	lr =	sadd.s32 s0, s3;
	s0 =	sld [smem:$0x3FA5]  }
0x30: {  	s3 =	sld [smem:$0x3FA8]  }
0x31: {  	[smem:$0x3FB1] =	sst s10  }
0x32: {  	s10 =	sld [smem:$0x3FAF];
	_ =	sdelay $0x3  }
0x33: {  	p0 =	seq.s32 s10, $0x1;
	s10 =	sld [smem:$0x3FB1];
	_ =	sdelay $0x3  }
0x34: {  	[smem:$0x3FB1] =	sst s10  }
0x35: {  	s10 =	sld [smem:$0x3FB0];
	_ =	sdelay $0x3  }
0x36: {  	p1 =	seq.s32 s10, $0x1;
	s10 =	sld [smem:$0x3FB1];
	_ =	sdelay $0x3  }
0x37: {  	[smem:$0x3FB1] =	sst s10  }
0x38: {  	s10 =	sld [smem:$0x3FB2]  }
0x39: {  	_ = 	snop;
	(pc) =	sbr.ind lr, $3  }
0x3a: {  	_ = 	snop  }
0x3b: {  	_ = 	snop  }
0x3c: {  	p2 =	seq.s32 s10, $0x1;
	s10 =	sld [smem:$0x3FB1]  }
0x3d: {  	_ =	shalt  }
0x3e: {  	_ =	shalt  }
0x3f: {  	_ =	shalt  }
0x40: {  	_ =	shalt  }
0x41: {  	_ =	shalt  }
0x42: {  	_ =	shalt  }
0x43: {  	_ =	shalt  }
0x44: {  	_ =	shalt  }
0x45: {  	_ =	shalt  }
0x46: {  	_ =	shalt  }
0x47: {  	_ =	shalt  }
0x48: {  	_ =	shalt  }
0x49: {  	_ =	shalt  }
0x4a: {  	_ =	shalt  }
0x4b: {  	_ =	shalt  }
0x4c: {  	_ =	shalt  }
0x4d: {  	_ =	shalt  }
0x4e: {  	_ =	shalt  }
0x4f: {  	_ =	shalt  }
0x50: {  	_ =	shalt  }
0x51: {  	_ =	shalt  }
0x52: {  	_ =	shalt  }
0x53: {  	_ =	shalt  }
0x54: {  	_ =	shalt  }
0x55: {  	_ =	shalt  }
0x56: {  	_ =	shalt  }
0x57: {  	_ =	shalt  }
0x58: {  	_ =	shalt  }
0x59: {  	_ =	shalt  }
0x5a: {  	_ =	shalt  }
0x5b: {  	_ =	shalt  }
0x5c: {  	_ =	shalt  }
0x5d: {  	_ =	shalt  }
0x5e: {  	_ =	shalt  }
0x5f: {  	_ =	shalt  }
0x60: {  	_ =	shalt  }
0x61: {  	_ =	shalt  }
0x62: {  	_ =	shalt  }
0x63: {  	_ =	shalt  }
0x64: {  	_ =	shalt  }
0x65: {  	_ =	shalt  }
0x66: {  	_ =	shalt  }
0x67: {  	_ =	shalt  }
0x68: {  	_ =	shalt  }
0x69: {  	_ =	shalt  }
0x6a: {  	_ =	shalt  }
0x6b: {  	_ =	shalt  }
0x6c: {  	_ =	shalt  }
0x6d: {  	_ =	shalt  }
0x6e: {  	_ =	shalt  }
0x6f: {  	_ =	shalt  }
0x70: {  	_ =	shalt  }
0x71: {  	_ =	shalt  }
0x72: {  	_ =	shalt  }
0x73: {  	_ =	shalt  }
0x74: {  	_ =	shalt  }
0x75: {  	_ =	shalt  }
0x76: {  	_ =	shalt  }
0x77: {  	_ =	shalt  }
0x78: {  	_ =	shalt  }
0x79: {  	_ =	shalt  }
0x7a: {  	_ =	shalt  }
0x7b: {  	_ =	shalt  }
0x7c: {  	_ =	shalt  }
0x7d: {  	_ =	shalt  }
0x7e: {  	_ =	shalt  }
0x7f: {  	_ =	shalt  }
0x80: {  	_ =	shalt  }
0x81: {  	_ =	shalt  }
0x82: {  	_ =	shalt  }
0x83: {  	_ =	shalt  }
0x84: {  	_ =	shalt  }
0x85: {  	_ =	shalt  }
0x86: {  	_ =	shalt  }
0x87: {  	_ =	shalt  }
.Lfunc_end0:
.L_simem_size_0:
called_computation.2_lowered:
.L_overlay_start_0:
0x88: {  	s2 =	sld [smem:$0x3FD9]  }
0x89: {  	s3 =	sld [smem:$0x3FFE];
	_ =	sdelay $0x1  }
0x8a: {  	s1 =	srdreg.scid  }
0x8b: {  	s0 =	sand.u32 $0x1, s1  }
0x8c: {  	s16 =	sshll.u32 s0, $0xA;
	s2 =	sadd.s32 s3, s2  }
0x8d: {  	s2 =	sadd.s32 s2, s16  }
0x8e: {  	[smem:$0x3FBD] =	sst s2  }
0x8f: {  	_ = 	snop  }
0x90: {  	(tm) =	ssettm $0x1  }
0x91: {  	s17 =	sld [smem:$0x3FFB];
	_ =	sdelay $0x3  }
0x92: {  	_ =	strace s17  }
0x93: {  	s2 =	sld [smem:$0x3FFC];
	_ =	sdelay $0x3  }
0x94: {  	_ =	strace s2  }
0x95: {  	s2 =	sld [smem:$0x3FFD];
	_ =	sdelay $0x3  }
0x96: {  	_ =	strace s2  }
0x97: {  	_ =	strace $0x8FFFFFFF  }
0x98: {  	s18 =	sld [smem:$0x3FDB];
	_ =	sdelay $0x1  }
0x99: {  	s19 =	simm.s32 $_scs_section_size  }
0x9a: {  	s4 =	simm.s32 $_size__tile_overlayer_lowered;
	s5 =	simm.s32 $_tile_overlayer_lowered  }
0x9b: {  	s22 =	simm.s32 $0x1BFF;
	s21 =	sshll.u32 s5, $0x1;
	s2 =	sadd.s32 s19, s18  }
0x9c: {  	s6 =	simm.s32 $0x0;
	s20 =	sshll.u32 s4, $0x1;
	s4 =	sadd.s32 s21, s2  }
0x9d: {  	[timem:s6], [sflag:s22] =	dma.local [hbm:s4], s20  }
0x9e: {  	_ =	swait.ge [sflag:s22], s20  }
0x9f: {  	s3 =	ssub.s32 $0x0, s20;
	[sflag:s22] =	ssyncset.done $0x0  }
0xa0: {  	[sflag:s22] =	ssyncadd.s32 s3;
	_ =	sdelay $0x1  }
0xa1: {  	s23 =	simm.s32 $0x1B8B  }
0xa2: {  	_ =	swait.ge [sflag:s23], $0x1  }
0xa3: {  	[sflag:s23] =	ssyncset.done $0x0  }
0xa4: {  	s25 =	simm.s32 $0x1B8E;
	s24 =	sld [smem:$0x3FFE];
	[sflag:s23] =	ssyncadd.s32 $0xFFFFFFFF  }
0xa5: {  	s26 =	simm.s32 $execute0_lowered;
	[smem:$0x3FD2] =	sst s25  }
0xa6: {  	s4 =	sshll.u32 s26, $0x1;
	_ =	strace $0x8000004C;
	[dreg:$0x1] =	wrdreg $0xFFFFFFFF  }
0xa7: {  	s28 =	simm.s32 $_size_execute0_lowered;
	s2 =	sadd.s32 s2, s4;
	[dreg:$0x0] =	wrdreg $0x0  }
0xa8: {  	s4 =	sshll.u32 s28, $0x1;
	[dreg:$0x2] =	wrdreg s2  }
0xa9: {  	[dreg:$0x3] =	wrdreg s4  }
0xaa: {  	[dreg:$0x4] =	wrdreg $0xC0  }
0xab: {  	_ =	task [dreg:s6], $0x5FFFF  }
0xac: {  	[dreg:$0x1] =	wrdreg $0xFFFFFFFF  }
0xad: {  	[dreg:$0x0] =	wrdreg $0x60  }
0xae: {  	[dreg:$0x2] =	wrdreg s24  }
0xaf: {  	[dreg:$0x3] =	wrdreg $0x0  }
0xb0: {  	[dreg:$0x4] =	wrdreg $0x9  }
0xb1: {  	_ =	task.clear_ibuf [dreg:s6], $0x5FFFF;
	_ =	strace $0x9000004C  }
0xb2: {  	s29 =	simm.s32 $0x9;
	_ =	strace $0x8000004E  }
0xb3: {  	_ =	swait.ge [sflag:s29], $0x1  }
0xb4: {  	[sflag:s29] =	ssyncadd.s32 $0xFFFFFFFF  }
0xb5: {  	_ =	strace $0x9000004E  }
0xb6: {  	_ =	sfence  }
0xb7: {  	s30 =	sld [smem:$0x0];
	_ =	sdelay $0x2  }
0xb8: {  	s31 =	sshll.u32 s1, $0xD;
	s1 =	sshrl.u32 s1, $0x2  }
0xb9: {  	s3 =	sand.u32 $0x4000, s31;
	s1 =	sadd.s32 s1, s30  }
0xba: {  	s0 =	sor.u32 s3, s0;
	s1 =	sshll.u32 s1, $0x11  }
0xbb: {  	s0 =	sor.u32 s1, s0  }
0xbc: {  	s0 =	sadd.s32 $0x8F2B, s0  }
0xbd: {  	[sflag:s0] =	ssyncadd.remote.s32 $0x1  }
0xbe: {  	_ =	sfence.sel $0xFFFF  }
0xbf: {  	[dreg:$0x0] =	wrdreg $0xFFFFFFFF;
	(pc) =	sbr.abs _section_cstart, $3  }
0xc0: {  	[dreg:$0x1] =	wrdreg $0xFFFFFFFF  }
0xc1: {  	_ =	task.clear_ibuf [dreg:s6], $0x2FFFF;
	_ =	strace $0x9FFFFFFF  }
0xc2: {  	(tm) =	ssettm $0x7FFFFFFF  }
0xc3: {  	_ =	shalt  }
tec
execute0_lowered:
.L_overlay_start_1:
0x0: {  	(tag) =	ssettag $0x1  }
0x1: {  	s6 =	rddreg [dreg:$0x0]  }
0x2: {  	s0 =	srdreg.scid;
	s2 =	rddreg [dreg:$0x1];
	s3 =	simm.s32 $0x0  }
0x3: {  	s13 =	simm.s32 $0xA000;
	s14 =	simm.s32 $0xC880;
	s15 =	simm.s32 $0x80  }
0x4: {  	s16 =	simm.s32 $0xF100;
	s17 =	simm.s32 $0x1;
	s18 =	simm.s32 $0x11100  }
0x5: {  	s19 =	simm.s32 $0x2;
	s20 =	simm.s32 $0xF080;
	s21 =	simm.s32 $0x0  }
0x6: {  	s5 =	sand.u32 $0x1, s0;
	s0 =	stileid.u32;
	[smem:$0x7FF] =	sst s3  }
0x7: {  	s4 =	sadd.s32 $0x22C00, s6;
	s1 =	sshll.u32 s5, $0x4;
	s8 =	smul.u32 $0xA000, s0  }
0x8: {  	s9 =	smul.u32 $0xA0000, s5;
	s5 =	ssub.s32 $0x2, s5;
	s1 =	sor.u32 s0, s1  }
0x9: {  	s31 =	sshll.u32 s0, $0x6;
	s11 =	sshrl.u32 s5, $0x1;
	s7 =	smul.u32 $0x510, s1  }
0xa: {  	s1 =	rddreg [dreg:$0x2];
	_ =	strace $0x8000004D;
	s30 =	sshrl.u32 s8, $0x3  }
0xb: {  	s9 =	sadd.s32 s8, s9;
	s11 =	ssub.s32 s5, s11;
	s12 =	sadd.s32 s8, s2  }
0xc: {  	s9 =	sshrl.u32 s9, $0x3;
	s10 =	sadd.s32 s7, s6;
	s7 =	sadd.s32 s30, s6  }
0xd: {  	s9 =	sadd.s32 s9, s6;
	s6 =	sor.u32 $0x1C03, s31;
	s5 =	sadd.s32 $0x36C00, s7  }
0xe: {  	s7 =	sadd.s32 $0x18A00, s10;
	s8 =	sadd.s32 $0x2800, s10;
	s9 =	sadd.s32 $0x4AC00, s9  }
0xf: {  	s10 =	smax.u32 s11, $0x1;
	s11 =	sshrl.u32 s12, $0x3;
	s12 =	simm.s32 $0x3  }
.LBB2_1:
0x10: {  	[spmem:s11], [sflag:s6] =	dma.local [hbm:s5], $0x1400  }
0x11: {  	_ =	swait.ge [sflag:s12], $0x1400  }
0x12: {  	[sflag:s12] =	ssyncset.done $0x0  }
0x13: {  	[sflag:s12] =	ssyncadd.s32 $0xFFFFEC00  }
0x14: {  	[tilespmem:s13], [sflag:$0x3] =	stream.linear.gather [hbm4b:s7+s3], $0x2880, $0x38;
	[tilespmem:$0x13100] =	vst v63  }
0x15: {  	_ =	swait.ge [sflag:s12], $0x2880  }
0x16: {  	[sflag:s12] =	ssyncset.done $0x0  }
0x17: {  	[sflag:s12] =	ssyncadd.s32 $0xFFFFD780  }
0x18: {  	[tilespmem:s14], [sflag:$0x3] =	stream.linear.gather [hbm4b:s8+s3], $0x2880, $0x38;
	[tilespmem:$0x13100] =	vst v63  }
0x19: {  	_ =	swait.ge [sflag:s12], $0x2880  }
0x1a: {  	[sflag:s12] =	ssyncset.done $0x0  }
0x1b: {  	[sflag:s12] =	ssyncadd.s32 $0xFFFFD780  }
0x1c: {  	[bflag:$0x0] =	sbarrier.arrive $0xFFFF  }
0x1d: {  	[tilespmem:s16], [sflag:$0x1] =	stream.indirect.gather [hbm4b:s4+s15], $0x40, s13, s15, $0xb8;
	[tilespmem:$0x13100] =	vst v63  }
0x1e: {  	_ =	swait.ge [sflag:s17], $0x2000  }
0x1f: {  	[sflag:s17] =	ssyncset.done $0x0  }
0x20: {  	s22 =	simm.s32 $0xA080;
	[sflag:s17] =	ssyncadd.s32 $0xFFFFE000  }
0x21: {  	[tilespmem:s18], [sflag:$0x2] =	stream.indirect.gather [hbm4b:s4+s15], $0x40, s22, s15, $0xb8;
	[tilespmem:$0x13100] =	vst v63  }
0x22: {  	s29 =	simm.s32 $0xC880  }
0x23: {  	[spmem:s2] =	stream.indirect.scatter.add.f32 [tilespmem:s16], [sflag:$0x3], $0x40, s29, s15, $0xb8;
	[tilespmem:$0x13100] =	vst v63  }
0x24: {  	_ =	swait.ge [sflag:s12], $0x2000  }
0x25: {  	[sflag:s12] =	ssyncset.done $0x0  }
0x26: {  	[sflag:s12] =	ssyncadd.s32 $0xFFFFE000  }
0x27: {  	_ =	swait.ge [sflag:s19], $0x2000  }
0x28: {  	[sflag:s19] =	ssyncset.done $0x0  }
0x29: {  	s30 =	simm.s32 $0xA100;
	[sflag:s19] =	ssyncadd.s32 $0xFFFFE000  }
0x2a: {  	[tilespmem:s16], [sflag:$0x1] =	stream.indirect.gather [hbm4b:s4+s15], $0x40, s30, s15, $0xb8;
	[tilespmem:$0x13100] =	vst v63  }
0x2b: {  	s31 =	simm.s32 $0xC900  }
0x2c: {  	[spmem:s2] =	stream.indirect.scatter.add.f32 [tilespmem:s18], [sflag:$0x3], $0x40, s31, s15, $0xb8;
	[tilespmem:$0x13100] =	vst v63  }
0x2d: {  	_ =	swait.ge [sflag:s12], $0x2000  }
0x2e: {  	s22 =	simm.s32 $0x400;
	[sflag:s12] =	ssyncset.done $0x0  }
.LBB2_2:
0x2f: {  	p0 =	sne.s32 s22, $0x9C00  }
0x30: {  	[sflag:s12] =	ssyncadd.s32 $0xFFFFE000;
	s23 =	smov.u32 s22;
	s22 =	sadd.s32 $0x400, s22  }
0x31: {  	_ = 	snop  }
0x32: {  	_ =	swait.ge [sflag:s17], $0x2000  }
0x33: {  	s23 =	sshra.s32 s23, $0x2;
	[sflag:s17] =	ssyncset.done $0x0  }
0x34: {  	s24 =	sadd.s32 $0xA080, s23;
	[sflag:s17] =	ssyncadd.s32 $0xFFFFE000  }
0x35: {  	[tilespmem:s18], [sflag:$0x2] =	stream.indirect.gather [hbm4b:s4+s15], $0x40, s24, s15, $0xb8;
	[tilespmem:$0x13100] =	vst v63  }
0x36: {  	s24 =	sadd.s32 $0xC880, s23  }
0x37: {  	[spmem:s2] =	stream.indirect.scatter.add.f32 [tilespmem:s16], [sflag:$0x3], $0x40, s24, s15, $0xb8;
	[tilespmem:$0x13100] =	vst v63  }
0x38: {  	_ =	swait.ge [sflag:s12], $0x2000  }
0x39: {  	[sflag:s12] =	ssyncset.done $0x0  }
0x3a: {  	[sflag:s12] =	ssyncadd.s32 $0xFFFFE000  }
0x3b: {  	_ =	swait.ge [sflag:s19], $0x2000  }
0x3c: {  	[sflag:s19] =	ssyncset.done $0x0  }
0x3d: {  	s24 =	sadd.s32 $0xA100, s23;
	[sflag:s19] =	ssyncadd.s32 $0xFFFFE000  }
0x3e: {  	[tilespmem:s16], [sflag:$0x1] =	stream.indirect.gather [hbm4b:s4+s15], $0x40, s24, s15, $0xb8;
	[tilespmem:$0x13100] =	vst v63  }
.Ltmp0:
0x3f: {  	_ = 	snop;
	(pc) =	sbr.rel @p0 .LBB2_2-.Ltmp0, $4  }
0x40: {  	s23 =	sadd.s32 $0xC900, s23  }
0x41: {  	[spmem:s2] =	stream.indirect.scatter.add.f32 [tilespmem:s18], [sflag:$0x3], $0x40, s23, s15, $0xb8;
	[tilespmem:$0x13100] =	vst v63  }
0x42: {  	_ =	swait.ge [sflag:s12], $0x2000  }
0x43: {  	[sflag:s12] =	ssyncset.done $0x0  }
0x44: {  	[sflag:s12] =	ssyncadd.s32 $0xFFFFE000  }
0x45: {  	_ =	swait.ge [sflag:s17], $0x2000  }
0x46: {  	[sflag:s17] =	ssyncset.done $0x0  }
0x47: {  	[sflag:s17] =	ssyncadd.s32 $0xFFFFE000  }
0x48: {  	[spmem:s2] =	stream.indirect.scatter.add.f32 [tilespmem:s16], [sflag:$0x3], $0x40, s20, s15, $0xb8;
	[tilespmem:$0x13100] =	vst v63  }
0x49: {  	_ =	swait.ge [sflag:s12], $0x2000  }
0x4a: {  	s21 =	sadd.s32 $0x1, s21;
	[sflag:s12] =	ssyncset.done $0x0  }
0x4b: {  	p0 =	sne.s32 s21, s10;
	[sflag:s12] =	ssyncadd.s32 $0xFFFFE000  }
.Ltmp1:
0x4c: {  	[bflag:$0x0] =	sbarrier.arrive $0xFFFF;
	(pc) =	sbr.rel @p0 .LBB2_1-.Ltmp1, $4  }
0x4d: {  	[hbm:s9], [sflag:s6] =	dma.local [spmem:s11], $0x1400  }
0x4e: {  	_ =	swait.ge [sflag:s12], $0x1400  }
0x4f: {  	[sflag:s12] =	ssyncset.done $0x0  }
0x50: {  	[sflag:s12] =	ssyncadd.s32 $0xFFFFEC00  }
0x51: {  	_ =	sfence.sel $0x180000  }
0x52: {  	[bflag:$0x0] =	sbarrier.arrive $0xFFFF  }
0x53: {  	p0 =	sne.s32 s0, $0x0;
	_ =	strace $0x9000004D  }
0x54: {  	s0 =	sadd.s32 @!p0 $0x100000, s1;
	[bflag:$0x2] =	sbarrier.arrive $0xFFFF  }
0x55: {  	[sflag:s0] =	ssyncadd.tile.s32 @!p0 $0x1;
	_ =	shalt  }
.Lfunc_end2:
_tile_overlayer_lowered:
.L_overlay_start_2:
0x56: {  	(tag) =	ssettag $0x2  }
0x57: {  	s0 =	rddreg [dreg:$0x0];
	s2 =	stileid.u32  }
0x58: {  	s1 =	rddreg [dreg:$0x1];
	p0 =	sne.s32 s2, $0x0  }
0x59: {  	s3 =	rddreg [dreg:$0x2];
	[bflag:$0x3] =	sbarrier.arrive $0xFFFF;
	s2 =	simm.s32 @!p0 $0x1C03  }
0x5a: {  	[timem:s3], [sflag:s2] =	dma.local @!p0 [hbm:s0], s1  }
0x5b: {  	s0 =	simm.s32 @!p0 $0x3  }
0x5c: {  	_ =	swait.ge @!p0 [sflag:s0], s1  }
0x5d: {  	s1 =	ssub.s32 @!p0 $0x0, s1;
	[sflag:s0] =	ssyncset.done @!p0 $0x0  }
0x5e: {  	[sflag:s0] =	ssyncadd.s32 @!p0 s1  }
0x5f: {  	[bflag:$0x3] =	sbarrier.arrive $0xFFFF  }
0x60: {  	_ =	shalt  }

// kernel: kernel.8.cloned.1.call-start
scs
__scs_entry_jumppad:
0x0: {  	(pc) =	sbr.rel $0x88, $3  }
0x1: {  	(tag) =	ssettag $0x0;
	lr =	simm.s32 $0x1  }
0x2: {  	[smem:$0x3F96] =	sst lr;
	_ =	strace $0xD0000000  }
0x3: {  	_ = 	snop  }
0x4: {  	_ = 	snop  }
0x5: {  	_ = 	snop  }
0x6: {  	_ = 	snop  }
0x7: {  	_ = 	snop  }
__scs_overlays_trampoline_lowered:
0x8: {  	[smem:$0x3FA5] =	sst s0  }
0x9: {  	[smem:$0x3FA6] =	sst s1  }
0xa: {  	[smem:$0x3FA7] =	sst s2  }
0xb: {  	[smem:$0x3FA8] =	sst s3  }
0xc: {  	[smem:$0x3FA9] =	sst s4  }
0xd: {  	[smem:$0x3FAA] =	sst s5  }
0xe: {  	[smem:$0x3FAB] =	sst s6  }
0xf: {  	[smem:$0x3FAC] =	sst s7  }
0x10: {  	[smem:$0x3FAD] =	sst s8  }
0x11: {  	[smem:$0x3FAE] =	sst s9;
	s0 =	simm.s32 @!p0 $0x0  }
0x12: {  	s1 =	sld [smem:$0x3F94];
	s0 =	simm.s32 @p0 $0x1  }
0x13: {  	[smem:$0x3FAF] =	sst s0;
	s0 =	simm.s32 @!p1 $0x0  }
0x14: {  	s2 =	sld [smem:$0x3F93];
	s0 =	simm.s32 @p1 $0x1  }
0x15: {  	[smem:$0x3FB0] =	sst s0;
	s0 =	simm.s32 @!p2 $0x0  }
0x16: {  	s3 =	sld [smem:$0x3FDB];
	s0 =	simm.s32 @p2 $0x1  }
0x17: {  	s4 =	simm.s32 $0x1BF5;
	[smem:$0x3FB2] =	sst s0  }
0x18: {  	s0 =	sld [smem:$0x3F95];
	_ =	swait.ge [sflag:s4], $0x0  }
0x19: {  	s7 =	sld [smem:$0x3F96]  }
0x1a: {  	s8 =	sadd.s32 $0xFFFFE003, lr  }
0x1b: {  	s9 =	sadd.s32 $0xFFFFFEF7, lr;
	s5 =	simm.s32 $0xFFFFFFFF;
	p2 =	slt.u32 s8, $0xFFFFF086  }
0x1c: {  	p1 =	slt.u32 s9, $0xF7A;
	s5 =	simm.s32 @!p2 $0x0  }
0x1d: {  	s5 =	simm.s32 @p1 $0x1;
	p0 =	seq.s32 s7, s2  }
0x1e: {  	s7 =	smul.u32 @!p0 $0xF7A, s2;
	p2 =	seq.s32 @!p0 s5, $0x0  }
0x1f: {  	s9 =	smul.u32 $0xF7A, s1;
	s8 =	simm.s32 @!p0 $0x1BF5;
	p2 =	por !p2, p0  }
0x20: {  	[sflag:s8] =	ssyncset.s32 @!p0 $0xFFFFF086;
	s6 =	sadd.s32 @!p0 s3, s7;
	s7 =	simm.s32 @!p0 $0x108  }
0x21: {  	s3 =	sadd.s32 s3, s9;
	s6 =	sadd.s32 @!p0 $0x88, s6;
	s7 =	simm.s32 @p2 $0x1082  }
0x22: {  	[simem:s7], [sflag:s8] =	dma.local @!p0 [hbm:s6], $0xF7A  }
0x23: {  	s9 =	sor.u32 $0xD0000000, s2;
	s6 =	simm.s32 $0x108;
	_ =	swait.ge @!p0 [sflag:s8], $0x0  }
0x24: {  	s3 =	sadd.s32 $0x88, s3;
	s6 =	simm.s32 @!p1 $0x1082;
	[sflag:s4] =	ssyncset.s32 $0xFFFFF086  }
0x25: {  	[simem:s6], [sflag:s4] =	dma.local [hbm:s3], $0xF7A  }
0x26: {  	[smem:$0x3F96] =	sst s1;
	(tag) =	ssettag s2;
	_ =	strace s9  }
0x27: {  	s1 =	sld [smem:$0x3FA6]  }
0x28: {  	s2 =	sld [smem:$0x3FA7]  }
0x29: {  	s4 =	sld [smem:$0x3FA9]  }
0x2a: {  	p0 =	seq.s32 s5, $0x0;
	s5 =	sld [smem:$0x3FAA]  }
0x2b: {  	s6 =	sld [smem:$0x3FAB]  }
0x2c: {  	s7 =	sld [smem:$0x3FAC]  }
0x2d: {  	s3 =	simm.s32 $0x108;
	s8 =	sld [smem:$0x3FAD]  }
0x2e: {  	s3 =	simm.s32 @!p0 $0x1082;
	s9 =	sld [smem:$0x3FAE]  }
0x2f: {  	lr =	sadd.s32 s0, s3;
	s0 =	sld [smem:$0x3FA5]  }
0x30: {  	s3 =	sld [smem:$0x3FA8]  }
0x31: {  	[smem:$0x3FB1] =	sst s10  }
0x32: {  	s10 =	sld [smem:$0x3FAF];
	_ =	sdelay $0x3  }
0x33: {  	p0 =	seq.s32 s10, $0x1;
	s10 =	sld [smem:$0x3FB1];
	_ =	sdelay $0x3  }
0x34: {  	[smem:$0x3FB1] =	sst s10  }
0x35: {  	s10 =	sld [smem:$0x3FB0];
	_ =	sdelay $0x3  }
0x36: {  	p1 =	seq.s32 s10, $0x1;
	s10 =	sld [smem:$0x3FB1];
	_ =	sdelay $0x3  }
0x37: {  	[smem:$0x3FB1] =	sst s10  }
0x38: {  	s10 =	sld [smem:$0x3FB2]  }
0x39: {  	_ = 	snop;
	(pc) =	sbr.ind lr, $3  }
0x3a: {  	_ = 	snop  }
0x3b: {  	_ = 	snop  }
0x3c: {  	p2 =	seq.s32 s10, $0x1;
	s10 =	sld [smem:$0x3FB1]  }
0x3d: {  	_ =	shalt  }
0x3e: {  	_ =	shalt  }
0x3f: {  	_ =	shalt  }
0x40: {  	_ =	shalt  }
0x41: {  	_ =	shalt  }
0x42: {  	_ =	shalt  }
0x43: {  	_ =	shalt  }
0x44: {  	_ =	shalt  }
0x45: {  	_ =	shalt  }
0x46: {  	_ =	shalt  }
0x47: {  	_ =	shalt  }
0x48: {  	_ =	shalt  }
0x49: {  	_ =	shalt  }
0x4a: {  	_ =	shalt  }
0x4b: {  	_ =	shalt  }
0x4c: {  	_ =	shalt  }
0x4d: {  	_ =	shalt  }
0x4e: {  	_ =	shalt  }
0x4f: {  	_ =	shalt  }
0x50: {  	_ =	shalt  }
0x51: {  	_ =	shalt  }
0x52: {  	_ =	shalt  }
0x53: {  	_ =	shalt  }
0x54: {  	_ =	shalt  }
0x55: {  	_ =	shalt  }
0x56: {  	_ =	shalt  }
0x57: {  	_ =	shalt  }
0x58: {  	_ =	shalt  }
0x59: {  	_ =	shalt  }
0x5a: {  	_ =	shalt  }
0x5b: {  	_ =	shalt  }
0x5c: {  	_ =	shalt  }
0x5d: {  	_ =	shalt  }
0x5e: {  	_ =	shalt  }
0x5f: {  	_ =	shalt  }
0x60: {  	_ =	shalt  }
0x61: {  	_ =	shalt  }
0x62: {  	_ =	shalt  }
0x63: {  	_ =	shalt  }
0x64: {  	_ =	shalt  }
0x65: {  	_ =	shalt  }
0x66: {  	_ =	shalt  }
0x67: {  	_ =	shalt  }
0x68: {  	_ =	shalt  }
0x69: {  	_ =	shalt  }
0x6a: {  	_ =	shalt  }
0x6b: {  	_ =	shalt  }
0x6c: {  	_ =	shalt  }
0x6d: {  	_ =	shalt  }
0x6e: {  	_ =	shalt  }
0x6f: {  	_ =	shalt  }
0x70: {  	_ =	shalt  }
0x71: {  	_ =	shalt  }
0x72: {  	_ =	shalt  }
0x73: {  	_ =	shalt  }
0x74: {  	_ =	shalt  }
0x75: {  	_ =	shalt  }
0x76: {  	_ =	shalt  }
0x77: {  	_ =	shalt  }
0x78: {  	_ =	shalt  }
0x79: {  	_ =	shalt  }
0x7a: {  	_ =	shalt  }
0x7b: {  	_ =	shalt  }
0x7c: {  	_ =	shalt  }
0x7d: {  	_ =	shalt  }
0x7e: {  	_ =	shalt  }
0x7f: {  	_ =	shalt  }
0x80: {  	_ =	shalt  }
0x81: {  	_ =	shalt  }
0x82: {  	_ =	shalt  }
0x83: {  	_ =	shalt  }
0x84: {  	_ =	shalt  }
0x85: {  	_ =	shalt  }
0x86: {  	_ =	shalt  }
0x87: {  	_ =	shalt  }
.Lfunc_end0:
.L_simem_size_0:
called_computation_lowered:
.L_overlay_start_0:
0x88: {  	s2 =	sld [smem:$0x3FD9]  }
0x89: {  	s3 =	sld [smem:$0x3FFE];
	_ =	sdelay $0x1  }
0x8a: {  	s1 =	srdreg.scid  }
0x8b: {  	s0 =	sand.u32 $0x1, s1  }
0x8c: {  	s16 =	sshll.u32 s0, $0xA;
	s2 =	sadd.s32 s3, s2  }
0x8d: {  	s2 =	sadd.s32 s2, s16  }
0x8e: {  	[smem:$0x3FBD] =	sst s2  }
0x8f: {  	_ = 	snop  }
0x90: {  	(tm) =	ssettm $0x1  }
0x91: {  	s17 =	sld [smem:$0x3FFB];
	_ =	sdelay $0x3  }
0x92: {  	_ =	strace s17  }
0x93: {  	s2 =	sld [smem:$0x3FFC];
	_ =	sdelay $0x3  }
0x94: {  	_ =	strace s2  }
0x95: {  	s2 =	sld [smem:$0x3FFD];
	_ =	sdelay $0x3  }
0x96: {  	_ =	strace s2  }
0x97: {  	_ =	strace $0x8FFFFFFF  }
0x98: {  	s18 =	sld [smem:$0x3FDB];
	_ =	sdelay $0x1  }
0x99: {  	s19 =	simm.s32 $_scs_section_size  }
0x9a: {  	s4 =	simm.s32 $_size__tile_overlayer_lowered;
	s5 =	simm.s32 $_tile_overlayer_lowered  }
0x9b: {  	s22 =	simm.s32 $0x1BFF;
	s21 =	sshll.u32 s5, $0x1;
	s2 =	sadd.s32 s19, s18  }
0x9c: {  	s6 =	simm.s32 $0x0;
	s20 =	sshll.u32 s4, $0x1;
	s4 =	sadd.s32 s21, s2  }
0x9d: {  	[timem:s6], [sflag:s22] =	dma.local [hbm:s4], s20  }
0x9e: {  	_ =	swait.ge [sflag:s22], s20  }
0x9f: {  	s3 =	ssub.s32 $0x0, s20;
	[sflag:s22] =	ssyncset.done $0x0  }
0xa0: {  	[sflag:s22] =	ssyncadd.s32 s3;
	_ =	sdelay $0x1  }
0xa1: {  	s23 =	simm.s32 $0x1B8B  }
0xa2: {  	_ =	swait.ge [sflag:s23], $0x1  }
0xa3: {  	[sflag:s23] =	ssyncset.done $0x0  }
0xa4: {  	s25 =	simm.s32 $0x1B8E;
	s24 =	sld [smem:$0x3FFE];
	[sflag:s23] =	ssyncadd.s32 $0xFFFFFFFF  }
0xa5: {  	s26 =	simm.s32 $execute0_lowered;
	[smem:$0x3FD2] =	sst s25  }
0xa6: {  	s4 =	sshll.u32 s26, $0x1;
	_ =	strace $0x80000046;
	[dreg:$0x1] =	wrdreg $0xFFFFFFFF  }
0xa7: {  	s28 =	simm.s32 $_size_execute0_lowered;
	s2 =	sadd.s32 s2, s4;
	[dreg:$0x0] =	wrdreg $0x0  }
0xa8: {  	s4 =	sshll.u32 s28, $0x1;
	[dreg:$0x2] =	wrdreg s2  }
0xa9: {  	[dreg:$0x3] =	wrdreg s4  }
0xaa: {  	[dreg:$0x4] =	wrdreg $0xC0  }
0xab: {  	_ =	task [dreg:s6], $0x5FFFF  }
0xac: {  	[dreg:$0x1] =	wrdreg $0xFFFFFFFF  }
0xad: {  	[dreg:$0x0] =	wrdreg $0x60  }
0xae: {  	[dreg:$0x2] =	wrdreg s24  }
0xaf: {  	[dreg:$0x3] =	wrdreg $0x0  }
0xb0: {  	[dreg:$0x4] =	wrdreg $0x9  }
0xb1: {  	_ =	task.clear_ibuf [dreg:s6], $0x5FFFF;
	_ =	strace $0x90000046  }
0xb2: {  	s29 =	simm.s32 $0x9;
	_ =	strace $0x80000048  }
0xb3: {  	_ =	swait.ge [sflag:s29], $0x1  }
0xb4: {  	[sflag:s29] =	ssyncadd.s32 $0xFFFFFFFF  }
0xb5: {  	_ =	strace $0x90000048  }
0xb6: {  	_ =	sfence  }
0xb7: {  	s30 =	sld [smem:$0x0];
	_ =	sdelay $0x2  }
0xb8: {  	s31 =	sshll.u32 s1, $0xD;
	s1 =	sshrl.u32 s1, $0x2  }
0xb9: {  	s3 =	sand.u32 $0x4000, s31;
	s1 =	sadd.s32 s1, s30  }
0xba: {  	s0 =	sor.u32 s3, s0;
	s1 =	sshll.u32 s1, $0x11  }
0xbb: {  	s0 =	sor.u32 s1, s0  }
0xbc: {  	s0 =	sadd.s32 $0x8F2B, s0  }
0xbd: {  	[sflag:s0] =	ssyncadd.remote.s32 $0x1  }
0xbe: {  	_ =	sfence.sel $0xFFFF  }
0xbf: {  	[dreg:$0x0] =	wrdreg $0xFFFFFFFF;
	(pc) =	sbr.abs _section_cstart, $3  }
0xc0: {  	[dreg:$0x1] =	wrdreg $0xFFFFFFFF  }
0xc1: {  	_ =	task.clear_ibuf [dreg:s6], $0x2FFFF;
	_ =	strace $0x9FFFFFFF  }
0xc2: {  	(tm) =	ssettm $0x7FFFFFFF  }
0xc3: {  	_ =	shalt  }
tec
execute0_lowered:
.L_overlay_start_1:
0x0: {  	(tag) =	ssettag $0x1  }
0x1: {  	s5 =	rddreg [dreg:$0x0]  }
0x2: {  	s0 =	srdreg.scid;
	s2 =	rddreg [dreg:$0x1]  }
0x3: {  	s3 =	simm.s32 $0x0;
	s12 =	simm.s32 $0x80;
	s13 =	simm.s32 $0x2E80  }
0x4: {  	s14 =	simm.s32 $0x20;
	s4 =	sand.u32 $0x1, s0;
	s0 =	stileid.u32  }
0x5: {  	s15 =	simm.s32 $0x10;
	s16 =	simm.s32 $0x0;
	s7 =	smul.u32 $0x500, s0  }
0x6: {  	[smem:$0x7FF] =	sst s3;
	s1 =	sshll.u32 s4, $0x4;
	s8 =	smul.u32 $0x280, s0  }
0x7: {  	s9 =	sshll.u32 s4, $0x7;
	s4 =	ssub.s32 $0x2, s4;
	s31 =	sshll.u32 s0, $0x6  }
0x8: {  	s6 =	sor.u32 s0, s1;
	s1 =	rddreg [dreg:$0x2];
	_ =	strace $0x80000047  }
0x9: {  	s10 =	sshrl.u32 s4, $0x1;
	s6 =	smul.u32 $0x580, s6;
	s7 =	sor.u32 s9, s7  }
0xa: {  	s30 =	sshrl.u32 s8, $0x3;
	s10 =	ssub.s32 s4, s10;
	s11 =	sadd.s32 s8, s2  }
0xb: {  	s7 =	sshrl.u32 s7, $0x3;
	s9 =	sadd.s32 s30, s5;
	s8 =	smax.u32 s10, $0x1  }
0xc: {  	s10 =	simm.s32 $0x1;
	s6 =	sadd.s32 s6, s5;
	s7 =	sadd.s32 s7, s5  }
0xd: {  	s4 =	sadd.s32 $0x17A00, s9;
	s5 =	sor.u32 $0x1C01, s31;
	s9 =	sshrl.u32 s11, $0x3  }
0xe: {  	v0 =	vimm.f32 $1.000000000e+00;
	s11 =	simm.s32 $0x280;
	s6 =	sadd.s32 $0xCA00, s6;
	s7 =	sadd.s32 $0x18000, s7  }
.LBB2_1:
0xf: {  	[spmem:s9], [sflag:s5] =	dma.local [hbm:s4], $0x50  }
0x10: {  	_ =	swait.ge [sflag:s10], $0x50  }
0x11: {  	[sflag:s10] =	ssyncset.done $0x0  }
0x12: {  	[sflag:s10] =	ssyncadd.s32 $0xFFFFFFB0  }
0x13: {  	[tilespmem:s11], [sflag:$0x1] =	stream.linear.gather [hbm4b:s6+s3], $0x2880, $0x38;
	[tilespmem:$0x2F00] =	vst v63  }
0x14: {  	_ =	swait.ge [sflag:s10], $0x2880  }
0x15: {  	[sflag:s10] =	ssyncset.done $0x0  }
0x16: {  	[sflag:s10] =	ssyncadd.s32 $0xFFFFD780  }
0x17: {  	[tilespmem:$0x2E80] =	vst v0  }
0x18: {  	[tilespmem:$0x2E90] =	vst v0  }
0x19: {  	[tilespmem:$0x2EA0] =	vst v0  }
0x1a: {  	[tilespmem:$0x2EB0] =	vst v0  }
0x1b: {  	[tilespmem:$0x2EC0] =	vst v0  }
0x1c: {  	[tilespmem:$0x2ED0] =	vst v0  }
0x1d: {  	[tilespmem:$0x2EE0] =	vst v0  }
0x1e: {  	[tilespmem:$0x2EF0] =	vst v0  }
0x1f: {  	s17 =	simm.s32 $0x280;
	[bflag:$0x0] =	sbarrier.arrive $0xFFFF  }
0x20: {  	[spmem:s2] =	stream.indirect.scatter.add.f32 [tilespmem:s13], [sflag:$0x1], $0x1, s17, s12, $0xb8;
	[tilespmem:$0x2F00] =	vst v63  }
0x21: {  	s17 =	simm.s32 $0x200;
	_ =	swait.ge [sflag:s10], $0x80  }
.LBB2_2:
0x22: {  	s18 =	sshra.s32 s17, $0x2;
	[sflag:s10] =	ssyncset.done $0x0;
	p0 =	sne.s32 s17, $0xA000  }
.Ltmp0:
0x23: {  	s18 =	sadd.s32 $0x280, s18;
	[sflag:s10] =	ssyncadd.s32 $0xFFFFFF80;
	(pc) =	sbr.rel @p0 .LBB2_2-.Ltmp0, $3  }
0x24: {  	[spmem:s2] =	stream.indirect.scatter.add.f32 [tilespmem:s13], [sflag:$0x1], $0x1, s18, s12, $0xb8;
	[tilespmem:$0x2F00] =	vst v63  }
0x25: {  	s17 =	sadd.s32 $0x200, s17;
	_ =	sdelay $0x1  }
0x26: {  	_ =	swait.ge [sflag:s10], $0x80  }
0x27: {  	[sflag:s10] =	ssyncset.done $0x0;
	s16 =	sadd.s32 $0x1, s16  }
0x28: {  	[sflag:s10] =	ssyncadd.s32 $0xFFFFFF80;
	p0 =	sne.s32 s16, s8  }
.Ltmp1:
0x29: {  	[bflag:$0x0] =	sbarrier.arrive $0xFFFF;
	(pc) =	sbr.rel @p0 .LBB2_1-.Ltmp1, $4  }
0x2a: {  	[hbm:s7@s14], [sflag:s5] =	dma.strided [spmem:s9@s15], $0x50, s10, $0x10   }
0x2b: {  	_ =	swait.ge [sflag:s10], $0x50  }
0x2c: {  	[sflag:s10] =	ssyncset.done $0x0  }
0x2d: {  	[sflag:s10] =	ssyncadd.s32 $0xFFFFFFB0  }
0x2e: {  	_ =	sfence.sel $0x180000  }
0x2f: {  	[bflag:$0x0] =	sbarrier.arrive $0xFFFF  }
0x30: {  	p0 =	sne.s32 s0, $0x0;
	_ =	strace $0x90000047  }
0x31: {  	s0 =	sadd.s32 @!p0 $0x100000, s1;
	[bflag:$0x2] =	sbarrier.arrive $0xFFFF  }
0x32: {  	[sflag:s0] =	ssyncadd.tile.s32 @!p0 $0x1;
	_ =	shalt  }
.Lfunc_end2:
_tile_overlayer_lowered:
.L_overlay_start_2:
0x33: {  	(tag) =	ssettag $0x2  }
0x34: {  	s0 =	rddreg [dreg:$0x0];
	s2 =	stileid.u32  }
0x35: {  	s1 =	rddreg [dreg:$0x1];
	p0 =	sne.s32 s2, $0x0  }
0x36: {  	s3 =	rddreg [dreg:$0x2];
	[bflag:$0x3] =	sbarrier.arrive $0xFFFF;
	s2 =	simm.s32 @!p0 $0x1C01  }
0x37: {  	[timem:s3], [sflag:s2] =	dma.local @!p0 [hbm:s0], s1  }
0x38: {  	s0 =	simm.s32 @!p0 $0x1  }
0x39: {  	_ =	swait.ge @!p0 [sflag:s0], s1  }
0x3a: {  	s1 =	ssub.s32 @!p0 $0x0, s1;
	[sflag:s0] =	ssyncset.done @!p0 $0x0  }
0x3b: {  	[sflag:s0] =	ssyncadd.s32 @!p0 s1  }
0x3c: {  	[bflag:$0x3] =	sbarrier.arrive $0xFFFF  }
0x3d: {  	_ =	shalt  }

</sc_bundles>
